<compile_context>
chip_gen: v7x
topology: tpu7x:2x2x1
jax: 0.10.2.dev20260603
libtpu: 0.0.44.dev20260713+nightly
codegen_flags: <defaults>
</compile_context>

<pallas_src>
import functools

import jax
import jax.numpy as jnp
from jax import lax
from jax.experimental import pallas as pl
from jax.experimental.pallas import tpu as pltpu
from jax.experimental.pallas import tpu_sc as plsc

NC = 2
NS = 16
ECHUNK = 128
F = 128


def _sc_mesh():
  return plsc.VectorSubcoreMesh(
      core_axis_name="c", subcore_axis_name="s",
      num_cores=NC, num_subcores=NS)


def _make_deg_kernel(n_pad, n_chunks):
  rows_per_sub = n_pad // NS

  @functools.partial(
      pl.kernel, mesh=_sc_mesh(),
      out_type=jax.ShapeDtypeStruct((NC, n_pad, F), jnp.float32),
      scratch_types=[
          pltpu.VMEM((n_chunks, ECHUNK), jnp.int32),
          pltpu.VMEM((ECHUNK, F), jnp.float32),
          pltpu.VMEM_SHARED((n_pad, F), jnp.float32),
      ],
  )
  def k(dsts_hbm, zeros_hbm, ones_hbm, out_hbm, dst_v, ones_v, acc_s):
    c = lax.axis_index("c")
    s = lax.axis_index("s")
    pltpu.sync_copy(dsts_hbm.at[c, s], dst_v)
    pltpu.sync_copy(ones_hbm, ones_v)
    sl = pl.ds(s * rows_per_sub, rows_per_sub)
    pltpu.sync_copy(zeros_hbm.at[sl], acc_s.at[sl])
    plsc.subcore_barrier()

    @pl.loop(0, n_chunks)
    def _(j):
      pltpu.sync_copy(ones_v, acc_s.at[dst_v.at[j]], add=True)

    plsc.subcore_barrier()
    pltpu.sync_copy(acc_s.at[sl], out_hbm.at[c, sl])

  return k


def _make_edge_scatter_kernel(n_pad, n_chunks):
  rows_per_sub = n_pad // NS

  @functools.partial(
      pl.kernel, mesh=_sc_mesh(),
      out_type=jax.ShapeDtypeStruct((NC, n_pad, F), jnp.float32),
      scratch_types=[
          pltpu.VMEM((n_chunks, ECHUNK), jnp.int32),
          pltpu.VMEM((n_chunks, ECHUNK), jnp.int32),
          pltpu.VMEM((ECHUNK, F), jnp.float32),
          pltpu.VMEM_SHARED((n_pad, F), jnp.float32),
      ],
  )
  def k(g_hbm, srcs_hbm, dsts_hbm, zeros_hbm, out_hbm,
        src_v, dst_v, buf_v, acc_s):
    c = lax.axis_index("c")
    s = lax.axis_index("s")
    pltpu.sync_copy(srcs_hbm.at[c, s], src_v)
    pltpu.sync_copy(dsts_hbm.at[c, s], dst_v)
    sl = pl.ds(s * rows_per_sub, rows_per_sub)
    pltpu.sync_copy(zeros_hbm.at[sl], acc_s.at[sl])
    plsc.subcore_barrier()

    @pl.loop(0, n_chunks)
    def _(j):
      pltpu.sync_copy(g_hbm.at[src_v.at[j]], buf_v)
      pltpu.sync_copy(buf_v, acc_s.at[dst_v.at[j]], add=True)

    plsc.subcore_barrier()
    pltpu.sync_copy(acc_s.at[sl], out_hbm.at[c, sl])

  return k


def _make_gather_kernel(n_rows_out, n_chunks):
  rows_per_tile = n_chunks * ECHUNK

  @functools.partial(
      pl.kernel, mesh=_sc_mesh(),
      out_type=jax.ShapeDtypeStruct((n_rows_out, F), jnp.float32),
      scratch_types=[
          pltpu.VMEM((n_chunks, ECHUNK), jnp.int32),
          pltpu.VMEM((ECHUNK, F), jnp.float32),
      ],
  )
  def k(z_hbm, idx_hbm, out_hbm, idx_v, buf_v):
    c = lax.axis_index("c")
    s = lax.axis_index("s")
    base = (c * NS + s) * rows_per_tile
    pltpu.sync_copy(idx_hbm.at[c, s], idx_v)

    @pl.loop(0, n_chunks)
    def _(j):
      pltpu.sync_copy(z_hbm.at[idx_v.at[j]], buf_v)
      pltpu.sync_copy(buf_v, out_hbm.at[pl.ds(base + j * ECHUNK, ECHUNK)])

  return k


def _dot(a, b):
  return jnp.dot(a, b, preferred_element_type=jnp.float32,
                 precision=lax.Precision.HIGHEST)


def _make_layer1_tc(n_nodes, n_pad, blk):
  grid = (n_nodes // blk,)

  def body(degp_ref, x_ref, w_ref, dinv_ref, g_ref):
    deg = degp_ref[0] + degp_ref[1] + 1.0
    dinv = lax.rsqrt(deg)
    h = _dot(x_ref[...], w_ref[...])
    dinv_ref[...] = dinv
    g_ref[...] = h * dinv

  return pl.pallas_call(
      body,
      grid=grid,
      in_specs=[
          pl.BlockSpec((NC, blk, F), lambda i: (0, i, 0)),
          pl.BlockSpec((blk, F), lambda i: (i, 0)),
          pl.BlockSpec((F, F), lambda i: (0, 0)),
      ],
      out_specs=[
          pl.BlockSpec((blk, F), lambda i: (i, 0)),
          pl.BlockSpec((blk, F), lambda i: (i, 0)),
      ],
      out_shape=[
          jax.ShapeDtypeStruct((n_nodes, F), jnp.float32),
          jax.ShapeDtypeStruct((n_nodes, F), jnp.float32),
      ],
  )


def _make_combine_tc(n_nodes, blk, with_matmul):
  grid = (n_nodes // blk,)

  if with_matmul:
    def body(accp_ref, g_ref, dinv_ref, b_ref, w_ref, out_ref):
      dinv = dinv_ref[...]
      z = (accp_ref[0] + accp_ref[1] + g_ref[...]) * dinv + b_ref[...]
      z = jnp.maximum(z, 0.0)
      out_ref[...] = _dot(z, w_ref[...]) * dinv
    in_specs = [
        pl.BlockSpec((NC, blk, F), lambda i: (0, i, 0)),
        pl.BlockSpec((blk, F), lambda i: (i, 0)),
        pl.BlockSpec((blk, F), lambda i: (i, 0)),
        pl.BlockSpec((1, F), lambda i: (0, 0)),
        pl.BlockSpec((F, F), lambda i: (0, 0)),
    ]
  else:
    def body(accp_ref, g_ref, dinv_ref, b_ref, out_ref):
      z = (accp_ref[0] + accp_ref[1] + g_ref[...]) * dinv_ref[...]
      out_ref[...] = z + b_ref[...]
    in_specs = [
        pl.BlockSpec((NC, blk, F), lambda i: (0, i, 0)),
        pl.BlockSpec((blk, F), lambda i: (i, 0)),
        pl.BlockSpec((blk, F), lambda i: (i, 0)),
        pl.BlockSpec((1, F), lambda i: (0, 0)),
    ]

  return pl.pallas_call(
      body,
      grid=grid,
      in_specs=in_specs,
      out_specs=pl.BlockSpec((blk, F), lambda i: (i, 0)),
      out_shape=jax.ShapeDtypeStruct((n_nodes, F), jnp.float32),
  )


def _make_mlp_tc(n_rows, half_blocks, blk):
  grid = (n_rows // blk,)

  def body(zs_ref, zd_ref, l1_ref, b1_ref, l2_ref, b2_ref, l3_ref, b3_ref,
           out_ref):
    p = zs_ref[...] * zd_ref[...]
    a = jnp.maximum(_dot(p, l1_ref[...]) + b1_ref[...], 0.0)
    a = jnp.maximum(_dot(a, l2_ref[...]) + b2_ref[...], 0.0)
    out_ref[...] = _dot(a, l3_ref[...]) + b3_ref[...]

  return pl.pallas_call(
      body,
      grid=grid,
      in_specs=[
          pl.BlockSpec((blk, F), lambda i: (i, 0)),
          pl.BlockSpec((blk, F), lambda i: (i + half_blocks, 0)),
          pl.BlockSpec((F, F), lambda i: (0, 0)),
          pl.BlockSpec((1, F), lambda i: (0, 0)),
          pl.BlockSpec((F, F), lambda i: (0, 0)),
          pl.BlockSpec((1, F), lambda i: (0, 0)),
          pl.BlockSpec((F, 2), lambda i: (0, 0)),
          pl.BlockSpec((1, 2), lambda i: (0, 0)),
      ],
      out_specs=pl.BlockSpec((blk, 2), lambda i: (i, 0)),
      out_shape=jax.ShapeDtypeStruct((n_rows, 2), jnp.float32),
  )


def _pad_to(idx, total, fill):
  idx = idx.astype(jnp.int32)
  pad = total - idx.shape[0]
  if pad:
    idx = jnp.concatenate([idx, jnp.full((pad,), fill, jnp.int32)])
  return idx


def _pad_split_idx(idx, n_chunks, fill):
  total = NC * NS * n_chunks * ECHUNK
  return _pad_to(idx, total, fill).reshape(NC, NS, n_chunks, ECHUNK)


def _ceil_div(a, b):
  return -(-a // b)


def kernel(x, edge_index, edge_label_index,
           W1, b1, W2, b2, W3, b3, L1, bl1, L2, bl2, L3, bl3):
  n_nodes = x.shape[0]
  n_edges = edge_index.shape[1]
  n_label = edge_label_index.shape[1]

  n_pad = _ceil_div(n_nodes + 1, NS * 8) * NS * 8

  ke = _ceil_div(n_edges, NC * NS * ECHUNK)
  kl_half = _ceil_div(n_label, NC * NS * ECHUNK)
  half = NC * NS * kl_half * ECHUNK
  kl = 2 * kl_half
  n_gath = 2 * half

  src = _pad_split_idx(edge_index[0], ke, 0)
  dst = _pad_split_idx(edge_index[1], ke, n_pad - 1)
  lidx = jnp.concatenate([
      _pad_to(edge_label_index[0], half, 0),
      _pad_to(edge_label_index[1], half, 0),
  ]).reshape(NC, NS, kl, ECHUNK)

  zeros = jnp.zeros((n_pad, F), jnp.float32)
  ones = jnp.ones((ECHUNK, F), jnp.float32)
  b1r = b1.reshape(1, F)
  b2r = b2.reshape(1, F)
  b3r = b3.reshape(1, F)
  bl1r = bl1.reshape(1, F)
  bl2r = bl2.reshape(1, F)
  bl3r = bl3.reshape(1, 2)

  deg_k = _make_deg_kernel(n_pad, ke)
  scat_k = _make_edge_scatter_kernel(n_pad, ke)
  gath_k = _make_gather_kernel(n_gath, kl)

  blk = 1000
  layer1 = _make_layer1_tc(n_nodes, n_pad, blk)
  cmb_mm = _make_combine_tc(n_nodes, blk, True)
  cmb_fin = _make_combine_tc(n_nodes, blk, False)

  mlp_blk = 1024
  half_blocks = (n_gath // 2) // mlp_blk
  mlp = _make_mlp_tc(n_gath // 2, half_blocks, mlp_blk)

  degp = deg_k(dst, zeros, ones)
  dinv, g1 = layer1(degp, x, W1)

  acc1 = scat_k(g1, src, dst, zeros)
  g2 = cmb_mm(acc1, g1, dinv, b1r, W2)

  acc2 = scat_k(g2, src, dst, zeros)
  g3 = cmb_mm(acc2, g2, dinv, b2r, W3)

  acc3 = scat_k(g3, src, dst, zeros)
  z = cmb_fin(acc3, g3, dinv, b3r)

  zg = gath_k(z, lidx)
  logits = mlp(zg, zg, L1, bl1r, L2, bl2r, L3, bl3r)
  return logits[:n_label]

# --- scband reference (transcript-rebuilt; emitter-appended) ---
"""Pipeline reference for scband-gcnmodel-17231408791701 (READ-ONLY COPY).

The authoritative reference and input builder live on the scoring server;
editing this copy changes nothing except your own understanding.
"""

import jax, jax.numpy as jnp
import numpy as np

N_NODES = 10000
N_EDGES = 320000
N_LABEL = 100000
IN_CH = 128
HID = 128


def gcn_conv(x, src, dst, W, b):
    # PyG-style GCNConv: add self-loops, symmetric normalization, linear, scatter-add, bias
    n = x.shape[0]
    loop = jnp.arange(n, dtype=src.dtype)
    s = jnp.concatenate([src, loop])
    d = jnp.concatenate([dst, loop])
    deg = jnp.zeros((n,), x.dtype).at[d].add(1.0)
    dinv = jax.lax.rsqrt(jnp.maximum(deg, 1.0))
    norm = dinv[s] * dinv[d]
    h = x @ W
    msg = h[s] * norm[:, None]
    out = jnp.zeros((n, W.shape[1]), h.dtype).at[d].add(msg)
    return out + b


def setup_inputs(seed: int = 0) -> dict:
    key = jax.random.key(seed)
    ks = jax.random.split(key, 16)
    x = jax.random.normal(ks[0], (N_NODES, IN_CH), dtype=jnp.float32)
    edge_index = jax.random.randint(ks[1], (2, N_EDGES), 0, N_NODES, dtype=jnp.int64)
    edge_label_index = jax.random.randint(ks[2], (2, N_LABEL), 0, N_NODES, dtype=jnp.int64)
    def glorot(k, shape):
        lim = float(np.sqrt(6.0 / (shape[0] + shape[1])))
        return jax.random.uniform(k, shape, jnp.float32, -lim, lim)
    W1 = glorot(ks[3], (IN_CH, HID)); b1 = jnp.zeros((HID,), jnp.float32)
    W2 = glorot(ks[4], (HID, HID)); b2 = jnp.zeros((HID,), jnp.float32)
    W3 = glorot(ks[5], (HID, HID)); b3 = jnp.zeros((HID,), jnp.float32)
    L1 = glorot(ks[6], (HID, HID)); bl1 = jnp.zeros((HID,), jnp.float32)
    L2 = glorot(ks[7], (HID, HID)); bl2 = jnp.zeros((HID,), jnp.float32)
    L3 = glorot(ks[8], (HID, 2)); bl3 = jnp.zeros((2,), jnp.float32)
    return {"x": x, "edge_index": edge_index, "edge_label_index": edge_label_index,
            "W1": W1, "b1": b1, "W2": W2, "b2": b2, "W3": W3, "b3": b3,
            "L1": L1, "bl1": bl1, "L2": L2, "bl2": bl2, "L3": L3, "bl3": bl3}


def reference(x, edge_index, edge_label_index, W1, b1, W2, b2, W3, b3, L1, bl1, L2, bl2, L3, bl3):
    src, dst = edge_index[0], edge_index[1]
    z = jax.nn.relu(gcn_conv(x, src, dst, W1, b1))
    z = jax.nn.relu(gcn_conv(z, src, dst, W2, b2))
    z = gcn_conv(z, src, dst, W3, b3)
    lsrc, ldst = edge_label_index[0], edge_label_index[1]
    z_src = z[lsrc]
    z_dst = z[ldst]
    h = z_src * z_dst
    h = jax.nn.relu(h @ L1 + bl1)
    h = jax.nn.relu(h @ L2 + bl2)
    logits = h @ L3 + bl3
    return logits

if __name__ == "__main__":
    import jax
    _d = setup_inputs()
    print(jax.jit(kernel)(*tuple(_d.values())))

</pallas_src>

<mosaic_0001>
#map = affine_map<(d0, d1) -> (0, 0)>
#map1 = affine_map<(d0, d1) -> (0, 0, 0, 0)>
#map2 = affine_map<(d0, d1) -> (0, 0, 0)>
module attributes {stable_mosaic.version = 14 : i64} {
  func.func @k(%arg0: i32, %arg1: i32, %arg2: memref<10000x128xf32, #tpu.memory_space<hbm>>, %arg3: memref<2x16x79x128xi32, #tpu.memory_space<hbm>>, %arg4: memref<2x16x79x128xi32, #tpu.memory_space<hbm>>, %arg5: memref<10112x128xf32, #tpu.memory_space<hbm>>, %arg6: memref<2x10112x128xf32, #tpu.memory_space<hbm>>, %arg7: memref<79x128xi32, #tpu.memory_space<vmem>>, %arg8: memref<79x128xi32, #tpu.memory_space<vmem>>, %arg9: memref<128x128xf32, #tpu.memory_space<vmem>>, %arg10: memref<10112x128xf32, #tpu.memory_space<vmem_shared>>) attributes {dimension_semantics = [#tpu.dimension_semantics<core_parallel>, #tpu.dimension_semantics<subcore_parallel>], iteration_bounds = array<i64: 2, 16>, scalar_prefetch = 0 : i64, scratch_operands = 4 : i64, tpu.core_type = #tpu.core_type<sc_vector_subcore>, window_params = [{transform_indices = #map}, {transform_indices = #map1}, {transform_indices = #map1}, {transform_indices = #map}, {transform_indices = #map2}]} {
    "tpu.region"() ({
      %run_scoped3A = tpu.sem_alloc : memref<!tpu.dma_semaphore, #tpu.memory_space<semaphore_mem>>
      %dma_start3A = arith.constant 0 : i32
      %dma_start3A_6 = arith.constant 0 : i32
      %dma_start3A_7 = tpu.memref_slice %arg3[%arg0, %arg1, %dma_start3A, %dma_start3A_6] : memref<2x16x79x128xi32, #tpu.memory_space<hbm>> -> memref<1x1x79x128xi32, #tpu.memory_space<hbm>>
      %dma_start3A_8 = tpu.memref_squeeze %dma_start3A_7 : memref<1x1x79x128xi32, #tpu.memory_space<hbm>> -> memref<79x128xi32, #tpu.memory_space<hbm>>
      %dma_start3A_9 = arith.constant 0 : i32
      %dma_start3A_10 = arith.constant 0 : i32
      %dma_start3A_11 = tpu.memref_slice %arg3[%arg0, %arg1, %dma_start3A_9, %dma_start3A_10] : memref<2x16x79x128xi32, #tpu.memory_space<hbm>> -> memref<1x1x79x128xi32, #tpu.memory_space<hbm>>
      %dma_start3A_12 = tpu.memref_squeeze %dma_start3A_11 : memref<1x1x79x128xi32, #tpu.memory_space<hbm>> -> memref<79x128xi32, #tpu.memory_space<hbm>>
      tpu.enqueue_dma source(%dma_start3A_12 : memref<79x128xi32, #tpu.memory_space<hbm>>) target(%arg7 : memref<79x128xi32, #tpu.memory_space<vmem>>) target_semaphore(%run_scoped3A : memref<!tpu.dma_semaphore, #tpu.memory_space<semaphore_mem>>)
      %dma_wait3A = arith.constant 0 : i32
      %dma_wait3A_13 = arith.constant 0 : i32
      %dma_wait3A_14 = tpu.memref_slice %arg3[%arg0, %arg1, %dma_wait3A, %dma_wait3A_13] : memref<2x16x79x128xi32, #tpu.memory_space<hbm>> -> memref<1x1x79x128xi32, #tpu.memory_space<hbm>>
      %dma_wait3A_15 = tpu.memref_squeeze %dma_wait3A_14 : memref<1x1x79x128xi32, #tpu.memory_space<hbm>> -> memref<79x128xi32, #tpu.memory_space<hbm>>
      %dma_wait3A_16 = arith.constant 0 : i32
      %dma_wait3A_17 = arith.constant 0 : i32
      %dma_wait3A_18 = tpu.memref_slice %arg3[%arg0, %arg1, %dma_wait3A_16, %dma_wait3A_17] : memref<2x16x79x128xi32, #tpu.memory_space<hbm>> -> memref<1x1x79x128xi32, #tpu.memory_space<hbm>>
      %dma_wait3A_19 = tpu.memref_squeeze %dma_wait3A_18 : memref<1x1x79x128xi32, #tpu.memory_space<hbm>> -> memref<79x128xi32, #tpu.memory_space<hbm>>
      tpu.wait_dma2 semaphore(%run_scoped3A : memref<!tpu.dma_semaphore, #tpu.memory_space<semaphore_mem>>) src(%dma_wait3A_19 : memref<79x128xi32, #tpu.memory_space<hbm>>) dst(%arg7 : memref<79x128xi32, #tpu.memory_space<vmem>>)
      tpu.yield
    }) : () -> ()
    "tpu.region"() ({
      %run_scoped3A = tpu.sem_alloc : memref<!tpu.dma_semaphore, #tpu.memory_space<semaphore_mem>>
      %dma_start3A = arith.constant 0 : i32
      %dma_start3A_6 = arith.constant 0 : i32
      %dma_start3A_7 = tpu.memref_slice %arg4[%arg0, %arg1, %dma_start3A, %dma_start3A_6] : memref<2x16x79x128xi32, #tpu.memory_space<hbm>> -> memref<1x1x79x128xi32, #tpu.memory_space<hbm>>
      %dma_start3A_8 = tpu.memref_squeeze %dma_start3A_7 : memref<1x1x79x128xi32, #tpu.memory_space<hbm>> -> memref<79x128xi32, #tpu.memory_space<hbm>>
      %dma_start3A_9 = arith.constant 0 : i32
      %dma_start3A_10 = arith.constant 0 : i32
      %dma_start3A_11 = tpu.memref_slice %arg4[%arg0, %arg1, %dma_start3A_9, %dma_start3A_10] : memref<2x16x79x128xi32, #tpu.memory_space<hbm>> -> memref<1x1x79x128xi32, #tpu.memory_space<hbm>>
      %dma_start3A_12 = tpu.memref_squeeze %dma_start3A_11 : memref<1x1x79x128xi32, #tpu.memory_space<hbm>> -> memref<79x128xi32, #tpu.memory_space<hbm>>
      tpu.enqueue_dma source(%dma_start3A_12 : memref<79x128xi32, #tpu.memory_space<hbm>>) target(%arg8 : memref<79x128xi32, #tpu.memory_space<vmem>>) target_semaphore(%run_scoped3A : memref<!tpu.dma_semaphore, #tpu.memory_space<semaphore_mem>>)
      %dma_wait3A = arith.constant 0 : i32
      %dma_wait3A_13 = arith.constant 0 : i32
      %dma_wait3A_14 = tpu.memref_slice %arg4[%arg0, %arg1, %dma_wait3A, %dma_wait3A_13] : memref<2x16x79x128xi32, #tpu.memory_space<hbm>> -> memref<1x1x79x128xi32, #tpu.memory_space<hbm>>
      %dma_wait3A_15 = tpu.memref_squeeze %dma_wait3A_14 : memref<1x1x79x128xi32, #tpu.memory_space<hbm>> -> memref<79x128xi32, #tpu.memory_space<hbm>>
      %dma_wait3A_16 = arith.constant 0 : i32
      %dma_wait3A_17 = arith.constant 0 : i32
      %dma_wait3A_18 = tpu.memref_slice %arg4[%arg0, %arg1, %dma_wait3A_16, %dma_wait3A_17] : memref<2x16x79x128xi32, #tpu.memory_space<hbm>> -> memref<1x1x79x128xi32, #tpu.memory_space<hbm>>
      %dma_wait3A_19 = tpu.memref_squeeze %dma_wait3A_18 : memref<1x1x79x128xi32, #tpu.memory_space<hbm>> -> memref<79x128xi32, #tpu.memory_space<hbm>>
      tpu.wait_dma2 semaphore(%run_scoped3A : memref<!tpu.dma_semaphore, #tpu.memory_space<semaphore_mem>>) src(%dma_wait3A_19 : memref<79x128xi32, #tpu.memory_space<hbm>>) dst(%arg8 : memref<79x128xi32, #tpu.memory_space<vmem>>)
      tpu.yield
    }) : () -> ()
    %mul3A = arith.constant 632 : i32
    %mul3A_0 = arith.muli %arg1, %mul3A : i32
    "tpu.region"() ({
      %run_scoped3A = tpu.sem_alloc : memref<!tpu.dma_semaphore, #tpu.memory_space<semaphore_mem>>
      %dma_start3A = arith.constant 0 : i32
      %dma_start3A_6 = tpu.memref_slice %arg10[%mul3A_0, %dma_start3A] : memref<10112x128xf32, #tpu.memory_space<vmem_shared>> -> memref<632x128xf32, #tpu.memory_space<vmem_shared>>
      %dma_start3A_7 = arith.constant 0 : i32
      %dma_start3A_8 = tpu.memref_slice %arg5[%mul3A_0, %dma_start3A_7] : memref<10112x128xf32, #tpu.memory_space<hbm>> -> memref<632x128xf32, #tpu.memory_space<hbm>>
      tpu.enqueue_dma source(%dma_start3A_8 : memref<632x128xf32, #tpu.memory_space<hbm>>) target(%dma_start3A_6 : memref<632x128xf32, #tpu.memory_space<vmem_shared>>) target_semaphore(%run_scoped3A : memref<!tpu.dma_semaphore, #tpu.memory_space<semaphore_mem>>)
      %dma_wait3A = arith.constant 0 : i32
      %dma_wait3A_9 = tpu.memref_slice %arg10[%mul3A_0, %dma_wait3A] : memref<10112x128xf32, #tpu.memory_space<vmem_shared>> -> memref<632x128xf32, #tpu.memory_space<vmem_shared>>
      %dma_wait3A_10 = arith.constant 0 : i32
      %dma_wait3A_11 = tpu.memref_slice %arg5[%mul3A_0, %dma_wait3A_10] : memref<10112x128xf32, #tpu.memory_space<hbm>> -> memref<632x128xf32, #tpu.memory_space<hbm>>
      tpu.wait_dma2 semaphore(%run_scoped3A : memref<!tpu.dma_semaphore, #tpu.memory_space<semaphore_mem>>) src(%dma_wait3A_11 : memref<632x128xf32, #tpu.memory_space<hbm>>) dst(%dma_wait3A_9 : memref<632x128xf32, #tpu.memory_space<vmem_shared>>)
      tpu.yield
    }) : () -> ()
    %barrier3A = arith.constant 0 : index
    tpu.barrier barrier_id(%barrier3A)
    %scan3A = arith.constant 0 : i32
    %scan3A_1 = arith.constant 79 : i32
    %scan3A_2 = arith.addi %scan3A, %scan3A_1 : i32
    %scan3A_3 = arith.constant 1 : i32
    scf.for %scan3A_6 = %scan3A to %scan3A_2 step %scan3A_3  : i32 {
      %mul3A_7 = arith.constant 1 : i32
      %mul3A_8 = arith.muli %scan3A_6, %mul3A_7 : i32
      %add3A = arith.constant 0 : i32
      %add3A_9 = arith.addi %add3A, %mul3A_8 : i32
      "tpu.region"() ({
        %run_scoped3A = tpu.sem_alloc : memref<!tpu.dma_semaphore, #tpu.memory_space<semaphore_mem>>
        %dma_start3A = arith.constant 0 : i32
        %dma_start3A_10 = tpu.memref_slice %arg7[%add3A_9, %dma_start3A] : memref<79x128xi32, #tpu.memory_space<vmem>> -> memref<1x128xi32, #tpu.memory_space<vmem>>
        %dma_start3A_11 = tpu.memref_squeeze %dma_start3A_10 : memref<1x128xi32, #tpu.memory_space<vmem>> -> memref<128xi32, #tpu.memory_space<vmem>>
        %dma_start3A_12 = arith.constant 0 : i32
        %dma_start3A_13 = arith.constant 0 : i32
        %dma_start3A_14 = tpu.memref_slice %arg2[%dma_start3A_12, %dma_start3A_13] : memref<10000x128xf32, #tpu.memory_space<hbm>> -> memref<10000x128xf32, #tpu.memory_space<hbm>>
        tpu.enqueue_indirect_dma source(%dma_start3A_14 : memref<10000x128xf32, #tpu.memory_space<hbm>>) target(%arg9 : memref<128x128xf32, #tpu.memory_space<vmem>>) offsets(%dma_start3A_11 : memref<128xi32, #tpu.memory_space<vmem>>) semaphore(%run_scoped3A : memref<!tpu.dma_semaphore, #tpu.memory_space<semaphore_mem>>)
        %dma_wait3A = arith.constant 0 : i32
        %dma_wait3A_15 = tpu.memref_slice %arg7[%add3A_9, %dma_wait3A] : memref<79x128xi32, #tpu.memory_space<vmem>> -> memref<1x128xi32, #tpu.memory_space<vmem>>
        %dma_wait3A_16 = tpu.memref_squeeze %dma_wait3A_15 : memref<1x128xi32, #tpu.memory_space<vmem>> -> memref<128xi32, #tpu.memory_space<vmem>>
        %dma_wait3A_17 = arith.constant 0 : i32
        %dma_wait3A_18 = arith.constant 0 : i32
        %dma_wait3A_19 = tpu.memref_slice %arg2[%dma_wait3A_17, %dma_wait3A_18] : memref<10000x128xf32, #tpu.memory_space<hbm>> -> memref<10000x128xf32, #tpu.memory_space<hbm>>
        tpu.wait_indirect_dma semaphore(%run_scoped3A : memref<!tpu.dma_semaphore, #tpu.memory_space<semaphore_mem>>) src(%dma_wait3A_19 : memref<10000x128xf32, #tpu.memory_space<hbm>>) dst(%arg9 : memref<128x128xf32, #tpu.memory_space<vmem>>)
        tpu.yield
      }) : () -> ()
      "tpu.region"() ({
        %run_scoped3A = tpu.sem_alloc : memref<!tpu.dma_semaphore, #tpu.memory_space<semaphore_mem>>
        %dma_start3A = arith.constant 0 : i32
        %dma_start3A_10 = tpu.memref_slice %arg8[%add3A_9, %dma_start3A] : memref<79x128xi32, #tpu.memory_space<vmem>> -> memref<1x128xi32, #tpu.memory_space<vmem>>
        %dma_start3A_11 = tpu.memref_squeeze %dma_start3A_10 : memref<1x128xi32, #tpu.memory_space<vmem>> -> memref<128xi32, #tpu.memory_space<vmem>>
        %dma_start3A_12 = arith.constant 0 : i32
        %dma_start3A_13 = arith.constant 0 : i32
        %dma_start3A_14 = tpu.memref_slice %arg10[%dma_start3A_12, %dma_start3A_13] : memref<10112x128xf32, #tpu.memory_space<vmem_shared>> -> memref<10112x128xf32, #tpu.memory_space<vmem_shared>>
        tpu.enqueue_indirect_dma source(%arg9 : memref<128x128xf32, #tpu.memory_space<vmem>>) target(%dma_start3A_14 : memref<10112x128xf32, #tpu.memory_space<vmem_shared>>) offsets(%dma_start3A_11 : memref<128xi32, #tpu.memory_space<vmem>>) semaphore(%run_scoped3A : memref<!tpu.dma_semaphore, #tpu.memory_space<semaphore_mem>>) {add = true}
        %dma_wait3A = arith.constant 0 : i32
        %dma_wait3A_15 = tpu.memref_slice %arg8[%add3A_9, %dma_wait3A] : memref<79x128xi32, #tpu.memory_space<vmem>> -> memref<1x128xi32, #tpu.memory_space<vmem>>
        %dma_wait3A_16 = tpu.memref_squeeze %dma_wait3A_15 : memref<1x128xi32, #tpu.memory_space<vmem>> -> memref<128xi32, #tpu.memory_space<vmem>>
        %dma_wait3A_17 = arith.constant 0 : i32
        %dma_wait3A_18 = arith.constant 0 : i32
        %dma_wait3A_19 = tpu.memref_slice %arg10[%dma_wait3A_17, %dma_wait3A_18] : memref<10112x128xf32, #tpu.memory_space<vmem_shared>> -> memref<10112x128xf32, #tpu.memory_space<vmem_shared>>
        tpu.wait_indirect_dma semaphore(%run_scoped3A : memref<!tpu.dma_semaphore, #tpu.memory_space<semaphore_mem>>) src(%arg9 : memref<128x128xf32, #tpu.memory_space<vmem>>) dst(%dma_wait3A_19 : memref<10112x128xf32, #tpu.memory_space<vmem_shared>>)
        tpu.yield
      }) : () -> ()
    }
    %scan3A_4 = arith.constant 79 : i32
    %barrier3A_5 = arith.constant 0 : index
    tpu.barrier barrier_id(%barrier3A_5)
    "tpu.region"() ({
      %run_scoped3A = tpu.sem_alloc : memref<!tpu.dma_semaphore, #tpu.memory_space<semaphore_mem>>
      %dma_start3A = arith.constant 0 : i32
      %dma_start3A_6 = tpu.memref_slice %arg6[%arg0, %mul3A_0, %dma_start3A] : memref<2x10112x128xf32, #tpu.memory_space<hbm>> -> memref<1x632x128xf32, #tpu.memory_space<hbm>>
      %dma_start3A_7 = tpu.memref_squeeze %dma_start3A_6 : memref<1x632x128xf32, #tpu.memory_space<hbm>> -> memref<632x128xf32, #tpu.memory_space<hbm>>
      %dma_start3A_8 = arith.constant 0 : i32
      %dma_start3A_9 = tpu.memref_slice %arg10[%mul3A_0, %dma_start3A_8] : memref<10112x128xf32, #tpu.memory_space<vmem_shared>> -> memref<632x128xf32, #tpu.memory_space<vmem_shared>>
      tpu.enqueue_dma source(%dma_start3A_9 : memref<632x128xf32, #tpu.memory_space<vmem_shared>>) target(%dma_start3A_7 : memref<632x128xf32, #tpu.memory_space<hbm>>) target_semaphore(%run_scoped3A : memref<!tpu.dma_semaphore, #tpu.memory_space<semaphore_mem>>)
      %dma_wait3A = arith.constant 0 : i32
      %dma_wait3A_10 = tpu.memref_slice %arg6[%arg0, %mul3A_0, %dma_wait3A] : memref<2x10112x128xf32, #tpu.memory_space<hbm>> -> memref<1x632x128xf32, #tpu.memory_space<hbm>>
      %dma_wait3A_11 = tpu.memref_squeeze %dma_wait3A_10 : memref<1x632x128xf32, #tpu.memory_space<hbm>> -> memref<632x128xf32, #tpu.memory_space<hbm>>
      %dma_wait3A_12 = arith.constant 0 : i32
      %dma_wait3A_13 = tpu.memref_slice %arg10[%mul3A_0, %dma_wait3A_12] : memref<10112x128xf32, #tpu.memory_space<vmem_shared>> -> memref<632x128xf32, #tpu.memory_space<vmem_shared>>
      tpu.wait_dma2 semaphore(%run_scoped3A : memref<!tpu.dma_semaphore, #tpu.memory_space<semaphore_mem>>) src(%dma_wait3A_13 : memref<632x128xf32, #tpu.memory_space<vmem_shared>>) dst(%dma_wait3A_11 : memref<632x128xf32, #tpu.memory_space<hbm>>)
      tpu.yield
    }) : () -> ()
    return
  }
}

#map = affine_map<(d0, d1) -> (0, 0, 0, 0)>
#map1 = affine_map<(d0, d1) -> (0, 0)>
#map2 = affine_map<(d0, d1) -> (0, 0, 0)>
module attributes {stable_mosaic.version = 14 : i64} {
  func.func @k(%arg0: i32, %arg1: i32, %arg2: memref<2x16x79x128xi32, #tpu.memory_space<hbm>>, %arg3: memref<10112x128xf32, #tpu.memory_space<hbm>>, %arg4: memref<128x128xf32, #tpu.memory_space<hbm>>, %arg5: memref<2x10112x128xf32, #tpu.memory_space<hbm>>, %arg6: memref<79x128xi32, #tpu.memory_space<vmem>>, %arg7: memref<128x128xf32, #tpu.memory_space<vmem>>, %arg8: memref<10112x128xf32, #tpu.memory_space<vmem_shared>>) attributes {dimension_semantics = [#tpu.dimension_semantics<core_parallel>, #tpu.dimension_semantics<subcore_parallel>], iteration_bounds = array<i64: 2, 16>, scalar_prefetch = 0 : i64, scratch_operands = 3 : i64, tpu.core_type = #tpu.core_type<sc_vector_subcore>, window_params = [{transform_indices = #map}, {transform_indices = #map1}, {transform_indices = #map1}, {transform_indices = #map2}]} {
    "tpu.region"() ({
      %run_scoped3A = tpu.sem_alloc : memref<!tpu.dma_semaphore, #tpu.memory_space<semaphore_mem>>
      %dma_start3A = arith.constant 0 : i32
      %dma_start3A_6 = arith.constant 0 : i32
      %dma_start3A_7 = tpu.memref_slice %arg2[%arg0, %arg1, %dma_start3A, %dma_start3A_6] : memref<2x16x79x128xi32, #tpu.memory_space<hbm>> -> memref<1x1x79x128xi32, #tpu.memory_space<hbm>>
      %dma_start3A_8 = tpu.memref_squeeze %dma_start3A_7 : memref<1x1x79x128xi32, #tpu.memory_space<hbm>> -> memref<79x128xi32, #tpu.memory_space<hbm>>
      %dma_start3A_9 = arith.constant 0 : i32
      %dma_start3A_10 = arith.constant 0 : i32
      %dma_start3A_11 = tpu.memref_slice %arg2[%arg0, %arg1, %dma_start3A_9, %dma_start3A_10] : memref<2x16x79x128xi32, #tpu.memory_space<hbm>> -> memref<1x1x79x128xi32, #tpu.memory_space<hbm>>
      %dma_start3A_12 = tpu.memref_squeeze %dma_start3A_11 : memref<1x1x79x128xi32, #tpu.memory_space<hbm>> -> memref<79x128xi32, #tpu.memory_space<hbm>>
      tpu.enqueue_dma source(%dma_start3A_12 : memref<79x128xi32, #tpu.memory_space<hbm>>) target(%arg6 : memref<79x128xi32, #tpu.memory_space<vmem>>) target_semaphore(%run_scoped3A : memref<!tpu.dma_semaphore, #tpu.memory_space<semaphore_mem>>)
      %dma_wait3A = arith.constant 0 : i32
      %dma_wait3A_13 = arith.constant 0 : i32
      %dma_wait3A_14 = tpu.memref_slice %arg2[%arg0, %arg1, %dma_wait3A, %dma_wait3A_13] : memref<2x16x79x128xi32, #tpu.memory_space<hbm>> -> memref<1x1x79x128xi32, #tpu.memory_space<hbm>>
      %dma_wait3A_15 = tpu.memref_squeeze %dma_wait3A_14 : memref<1x1x79x128xi32, #tpu.memory_space<hbm>> -> memref<79x128xi32, #tpu.memory_space<hbm>>
      %dma_wait3A_16 = arith.constant 0 : i32
      %dma_wait3A_17 = arith.constant 0 : i32
      %dma_wait3A_18 = tpu.memref_slice %arg2[%arg0, %arg1, %dma_wait3A_16, %dma_wait3A_17] : memref<2x16x79x128xi32, #tpu.memory_space<hbm>> -> memref<1x1x79x128xi32, #tpu.memory_space<hbm>>
      %dma_wait3A_19 = tpu.memref_squeeze %dma_wait3A_18 : memref<1x1x79x128xi32, #tpu.memory_space<hbm>> -> memref<79x128xi32, #tpu.memory_space<hbm>>
      tpu.wait_dma2 semaphore(%run_scoped3A : memref<!tpu.dma_semaphore, #tpu.memory_space<semaphore_mem>>) src(%dma_wait3A_19 : memref<79x128xi32, #tpu.memory_space<hbm>>) dst(%arg6 : memref<79x128xi32, #tpu.memory_space<vmem>>)
      tpu.yield
    }) : () -> ()
    "tpu.region"() ({
      %run_scoped3A = tpu.sem_alloc : memref<!tpu.dma_semaphore, #tpu.memory_space<semaphore_mem>>
      tpu.enqueue_dma source(%arg4 : memref<128x128xf32, #tpu.memory_space<hbm>>) target(%arg7 : memref<128x128xf32, #tpu.memory_space<vmem>>) target_semaphore(%run_scoped3A : memref<!tpu.dma_semaphore, #tpu.memory_space<semaphore_mem>>)
      tpu.wait_dma2 semaphore(%run_scoped3A : memref<!tpu.dma_semaphore, #tpu.memory_space<semaphore_mem>>) src(%arg4 : memref<128x128xf32, #tpu.memory_space<hbm>>) dst(%arg7 : memref<128x128xf32, #tpu.memory_space<vmem>>)
      tpu.yield
    }) : () -> ()
    %mul3A = arith.constant 632 : i32
    %mul3A_0 = arith.muli %arg1, %mul3A : i32
    "tpu.region"() ({
      %run_scoped3A = tpu.sem_alloc : memref<!tpu.dma_semaphore, #tpu.memory_space<semaphore_mem>>
      %dma_start3A = arith.constant 0 : i32
      %dma_start3A_6 = tpu.memref_slice %arg8[%mul3A_0, %dma_start3A] : memref<10112x128xf32, #tpu.memory_space<vmem_shared>> -> memref<632x128xf32, #tpu.memory_space<vmem_shared>>
      %dma_start3A_7 = arith.constant 0 : i32
      %dma_start3A_8 = tpu.memref_slice %arg3[%mul3A_0, %dma_start3A_7] : memref<10112x128xf32, #tpu.memory_space<hbm>> -> memref<632x128xf32, #tpu.memory_space<hbm>>
      tpu.enqueue_dma source(%dma_start3A_8 : memref<632x128xf32, #tpu.memory_space<hbm>>) target(%dma_start3A_6 : memref<632x128xf32, #tpu.memory_space<vmem_shared>>) target_semaphore(%run_scoped3A : memref<!tpu.dma_semaphore, #tpu.memory_space<semaphore_mem>>)
      %dma_wait3A = arith.constant 0 : i32
      %dma_wait3A_9 = tpu.memref_slice %arg8[%mul3A_0, %dma_wait3A] : memref<10112x128xf32, #tpu.memory_space<vmem_shared>> -> memref<632x128xf32, #tpu.memory_space<vmem_shared>>
      %dma_wait3A_10 = arith.constant 0 : i32
      %dma_wait3A_11 = tpu.memref_slice %arg3[%mul3A_0, %dma_wait3A_10] : memref<10112x128xf32, #tpu.memory_space<hbm>> -> memref<632x128xf32, #tpu.memory_space<hbm>>
      tpu.wait_dma2 semaphore(%run_scoped3A : memref<!tpu.dma_semaphore, #tpu.memory_space<semaphore_mem>>) src(%dma_wait3A_11 : memref<632x128xf32, #tpu.memory_space<hbm>>) dst(%dma_wait3A_9 : memref<632x128xf32, #tpu.memory_space<vmem_shared>>)
      tpu.yield
    }) : () -> ()
    %barrier3A = arith.constant 0 : index
    tpu.barrier barrier_id(%barrier3A)
    %scan3A = arith.constant 0 : i32
    %scan3A_1 = arith.constant 79 : i32
    %scan3A_2 = arith.addi %scan3A, %scan3A_1 : i32
    %scan3A_3 = arith.constant 1 : i32
    scf.for %scan3A_6 = %scan3A to %scan3A_2 step %scan3A_3  : i32 {
      %mul3A_7 = arith.constant 1 : i32
      %mul3A_8 = arith.muli %scan3A_6, %mul3A_7 : i32
      %add3A = arith.constant 0 : i32
      %add3A_9 = arith.addi %add3A, %mul3A_8 : i32
      "tpu.region"() ({
        %run_scoped3A = tpu.sem_alloc : memref<!tpu.dma_semaphore, #tpu.memory_space<semaphore_mem>>
        %dma_start3A = arith.constant 0 : i32
        %dma_start3A_10 = tpu.memref_slice %arg6[%add3A_9, %dma_start3A] : memref<79x128xi32, #tpu.memory_space<vmem>> -> memref<1x128xi32, #tpu.memory_space<vmem>>
        %dma_start3A_11 = tpu.memref_squeeze %dma_start3A_10 : memref<1x128xi32, #tpu.memory_space<vmem>> -> memref<128xi32, #tpu.memory_space<vmem>>
        %dma_start3A_12 = arith.constant 0 : i32
        %dma_start3A_13 = arith.constant 0 : i32
        %dma_start3A_14 = tpu.memref_slice %arg8[%dma_start3A_12, %dma_start3A_13] : memref<10112x128xf32, #tpu.memory_space<vmem_shared>> -> memref<10112x128xf32, #tpu.memory_space<vmem_shared>>
        tpu.enqueue_indirect_dma source(%arg7 : memref<128x128xf32, #tpu.memory_space<vmem>>) target(%dma_start3A_14 : memref<10112x128xf32, #tpu.memory_space<vmem_shared>>) offsets(%dma_start3A_11 : memref<128xi32, #tpu.memory_space<vmem>>) semaphore(%run_scoped3A : memref<!tpu.dma_semaphore, #tpu.memory_space<semaphore_mem>>) {add = true}
        %dma_wait3A = arith.constant 0 : i32
        %dma_wait3A_15 = tpu.memref_slice %arg6[%add3A_9, %dma_wait3A] : memref<79x128xi32, #tpu.memory_space<vmem>> -> memref<1x128xi32, #tpu.memory_space<vmem>>
        %dma_wait3A_16 = tpu.memref_squeeze %dma_wait3A_15 : memref<1x128xi32, #tpu.memory_space<vmem>> -> memref<128xi32, #tpu.memory_space<vmem>>
        %dma_wait3A_17 = arith.constant 0 : i32
        %dma_wait3A_18 = arith.constant 0 : i32
        %dma_wait3A_19 = tpu.memref_slice %arg8[%dma_wait3A_17, %dma_wait3A_18] : memref<10112x128xf32, #tpu.memory_space<vmem_shared>> -> memref<10112x128xf32, #tpu.memory_space<vmem_shared>>
        tpu.wait_indirect_dma semaphore(%run_scoped3A : memref<!tpu.dma_semaphore, #tpu.memory_space<semaphore_mem>>) src(%arg7 : memref<128x128xf32, #tpu.memory_space<vmem>>) dst(%dma_wait3A_19 : memref<10112x128xf32, #tpu.memory_space<vmem_shared>>)
        tpu.yield
      }) : () -> ()
    }
    %scan3A_4 = arith.constant 79 : i32
    %barrier3A_5 = arith.constant 0 : index
    tpu.barrier barrier_id(%barrier3A_5)
    "tpu.region"() ({
      %run_scoped3A = tpu.sem_alloc : memref<!tpu.dma_semaphore, #tpu.memory_space<semaphore_mem>>
      %dma_start3A = arith.constant 0 : i32
      %dma_start3A_6 = tpu.memref_slice %arg5[%arg0, %mul3A_0, %dma_start3A] : memref<2x10112x128xf32, #tpu.memory_space<hbm>> -> memref<1x632x128xf32, #tpu.memory_space<hbm>>
      %dma_start3A_7 = tpu.memref_squeeze %dma_start3A_6 : memref<1x632x128xf32, #tpu.memory_space<hbm>> -> memref<632x128xf32, #tpu.memory_space<hbm>>
      %dma_start3A_8 = arith.constant 0 : i32
      %dma_start3A_9 = tpu.memref_slice %arg8[%mul3A_0, %dma_start3A_8] : memref<10112x128xf32, #tpu.memory_space<vmem_shared>> -> memref<632x128xf32, #tpu.memory_space<vmem_shared>>
      tpu.enqueue_dma source(%dma_start3A_9 : memref<632x128xf32, #tpu.memory_space<vmem_shared>>) target(%dma_start3A_7 : memref<632x128xf32, #tpu.memory_space<hbm>>) target_semaphore(%run_scoped3A : memref<!tpu.dma_semaphore, #tpu.memory_space<semaphore_mem>>)
      %dma_wait3A = arith.constant 0 : i32
      %dma_wait3A_10 = tpu.memref_slice %arg5[%arg0, %mul3A_0, %dma_wait3A] : memref<2x10112x128xf32, #tpu.memory_space<hbm>> -> memref<1x632x128xf32, #tpu.memory_space<hbm>>
      %dma_wait3A_11 = tpu.memref_squeeze %dma_wait3A_10 : memref<1x632x128xf32, #tpu.memory_space<hbm>> -> memref<632x128xf32, #tpu.memory_space<hbm>>
      %dma_wait3A_12 = arith.constant 0 : i32
      %dma_wait3A_13 = tpu.memref_slice %arg8[%mul3A_0, %dma_wait3A_12] : memref<10112x128xf32, #tpu.memory_space<vmem_shared>> -> memref<632x128xf32, #tpu.memory_space<vmem_shared>>
      tpu.wait_dma2 semaphore(%run_scoped3A : memref<!tpu.dma_semaphore, #tpu.memory_space<semaphore_mem>>) src(%dma_wait3A_13 : memref<632x128xf32, #tpu.memory_space<vmem_shared>>) dst(%dma_wait3A_11 : memref<632x128xf32, #tpu.memory_space<hbm>>)
      tpu.yield
    }) : () -> ()
    return
  }
}

#map = affine_map<(d0, d1) -> (0, 0)>
#map1 = affine_map<(d0, d1) -> (0, 0, 0, 0)>
#map2 = affine_map<(d0, d1) -> (0, 0, 0)>
module attributes {stable_mosaic.version = 14 : i64} {
  func.func @k(%arg0: i32, %arg1: i32, %arg2: memref<10000x128xf32, #tpu.memory_space<hbm>>, %arg3: memref<2x16x79x128xi32, #tpu.memory_space<hbm>>, %arg4: memref<2x16x79x128xi32, #tpu.memory_space<hbm>>, %arg5: memref<10112x128xf32, #tpu.memory_space<hbm>>, %arg6: memref<2x10112x128xf32, #tpu.memory_space<hbm>>, %arg7: memref<79x128xi32, #tpu.memory_space<vmem>>, %arg8: memref<79x128xi32, #tpu.memory_space<vmem>>, %arg9: memref<128x128xf32, #tpu.memory_space<vmem>>, %arg10: memref<10112x128xf32, #tpu.memory_space<vmem_shared>>) attributes {dimension_semantics = [#tpu.dimension_semantics<core_parallel>, #tpu.dimension_semantics<subcore_parallel>], iteration_bounds = array<i64: 2, 16>, scalar_prefetch = 0 : i64, scratch_operands = 4 : i64, tpu.core_type = #tpu.core_type<sc_vector_subcore>, window_params = [{transform_indices = #map}, {transform_indices = #map1}, {transform_indices = #map1}, {transform_indices = #map}, {transform_indices = #map2}]} {
    "tpu.region"() ({
      %run_scoped3A = tpu.sem_alloc : memref<!tpu.dma_semaphore, #tpu.memory_space<semaphore_mem>>
      %dma_start3A = arith.constant 0 : i32
      %dma_start3A_6 = arith.constant 0 : i32
      %dma_start3A_7 = tpu.memref_slice %arg3[%arg0, %arg1, %dma_start3A, %dma_start3A_6] : memref<2x16x79x128xi32, #tpu.memory_space<hbm>> -> memref<1x1x79x128xi32, #tpu.memory_space<hbm>>
      %dma_start3A_8 = tpu.memref_squeeze %dma_start3A_7 : memref<1x1x79x128xi32, #tpu.memory_space<hbm>> -> memref<79x128xi32, #tpu.memory_space<hbm>>
      %dma_start3A_9 = arith.constant 0 : i32
      %dma_start3A_10 = arith.constant 0 : i32
      %dma_start3A_11 = tpu.memref_slice %arg3[%arg0, %arg1, %dma_start3A_9, %dma_start3A_10] : memref<2x16x79x128xi32, #tpu.memory_space<hbm>> -> memref<1x1x79x128xi32, #tpu.memory_space<hbm>>
      %dma_start3A_12 = tpu.memref_squeeze %dma_start3A_11 : memref<1x1x79x128xi32, #tpu.memory_space<hbm>> -> memref<79x128xi32, #tpu.memory_space<hbm>>
      tpu.enqueue_dma source(%dma_start3A_12 : memref<79x128xi32, #tpu.memory_space<hbm>>) target(%arg7 : memref<79x128xi32, #tpu.memory_space<vmem>>) target_semaphore(%run_scoped3A : memref<!tpu.dma_semaphore, #tpu.memory_space<semaphore_mem>>)
      %dma_wait3A = arith.constant 0 : i32
      %dma_wait3A_13 = arith.constant 0 : i32
      %dma_wait3A_14 = tpu.memref_slice %arg3[%arg0, %arg1, %dma_wait3A, %dma_wait3A_13] : memref<2x16x79x128xi32, #tpu.memory_space<hbm>> -> memref<1x1x79x128xi32, #tpu.memory_space<hbm>>
      %dma_wait3A_15 = tpu.memref_squeeze %dma_wait3A_14 : memref<1x1x79x128xi32, #tpu.memory_space<hbm>> -> memref<79x128xi32, #tpu.memory_space<hbm>>
      %dma_wait3A_16 = arith.constant 0 : i32
      %dma_wait3A_17 = arith.constant 0 : i32
      %dma_wait3A_18 = tpu.memref_slice %arg3[%arg0, %arg1, %dma_wait3A_16, %dma_wait3A_17] : memref<2x16x79x128xi32, #tpu.memory_space<hbm>> -> memref<1x1x79x128xi32, #tpu.memory_space<hbm>>
      %dma_wait3A_19 = tpu.memref_squeeze %dma_wait3A_18 : memref<1x1x79x128xi32, #tpu.memory_space<hbm>> -> memref<79x128xi32, #tpu.memory_space<hbm>>
      tpu.wait_dma2 semaphore(%run_scoped3A : memref<!tpu.dma_semaphore, #tpu.memory_space<semaphore_mem>>) src(%dma_wait3A_19 : memref<79x128xi32, #tpu.memory_space<hbm>>) dst(%arg7 : memref<79x128xi32, #tpu.memory_space<vmem>>)
      tpu.yield
    }) : () -> ()
    "tpu.region"() ({
      %run_scoped3A = tpu.sem_alloc : memref<!tpu.dma_semaphore, #tpu.memory_space<semaphore_mem>>
      %dma_start3A = arith.constant 0 : i32
      %dma_start3A_6 = arith.constant 0 : i32
      %dma_start3A_7 = tpu.memref_slice %arg4[%arg0, %arg1, %dma_start3A, %dma_start3A_6] : memref<2x16x79x128xi32, #tpu.memory_space<hbm>> -> memref<1x1x79x128xi32, #tpu.memory_space<hbm>>
      %dma_start3A_8 = tpu.memref_squeeze %dma_start3A_7 : memref<1x1x79x128xi32, #tpu.memory_space<hbm>> -> memref<79x128xi32, #tpu.memory_space<hbm>>
      %dma_start3A_9 = arith.constant 0 : i32
      %dma_start3A_10 = arith.constant 0 : i32
      %dma_start3A_11 = tpu.memref_slice %arg4[%arg0, %arg1, %dma_start3A_9, %dma_start3A_10] : memref<2x16x79x128xi32, #tpu.memory_space<hbm>> -> memref<1x1x79x128xi32, #tpu.memory_space<hbm>>
      %dma_start3A_12 = tpu.memref_squeeze %dma_start3A_11 : memref<1x1x79x128xi32, #tpu.memory_space<hbm>> -> memref<79x128xi32, #tpu.memory_space<hbm>>
      tpu.enqueue_dma source(%dma_start3A_12 : memref<79x128xi32, #tpu.memory_space<hbm>>) target(%arg8 : memref<79x128xi32, #tpu.memory_space<vmem>>) target_semaphore(%run_scoped3A : memref<!tpu.dma_semaphore, #tpu.memory_space<semaphore_mem>>)
      %dma_wait3A = arith.constant 0 : i32
      %dma_wait3A_13 = arith.constant 0 : i32
      %dma_wait3A_14 = tpu.memref_slice %arg4[%arg0, %arg1, %dma_wait3A, %dma_wait3A_13] : memref<2x16x79x128xi32, #tpu.memory_space<hbm>> -> memref<1x1x79x128xi32, #tpu.memory_space<hbm>>
      %dma_wait3A_15 = tpu.memref_squeeze %dma_wait3A_14 : memref<1x1x79x128xi32, #tpu.memory_space<hbm>> -> memref<79x128xi32, #tpu.memory_space<hbm>>
      %dma_wait3A_16 = arith.constant 0 : i32
      %dma_wait3A_17 = arith.constant 0 : i32
      %dma_wait3A_18 = tpu.memref_slice %arg4[%arg0, %arg1, %dma_wait3A_16, %dma_wait3A_17] : memref<2x16x79x128xi32, #tpu.memory_space<hbm>> -> memref<1x1x79x128xi32, #tpu.memory_space<hbm>>
      %dma_wait3A_19 = tpu.memref_squeeze %dma_wait3A_18 : memref<1x1x79x128xi32, #tpu.memory_space<hbm>> -> memref<79x128xi32, #tpu.memory_space<hbm>>
      tpu.wait_dma2 semaphore(%run_scoped3A : memref<!tpu.dma_semaphore, #tpu.memory_space<semaphore_mem>>) src(%dma_wait3A_19 : memref<79x128xi32, #tpu.memory_space<hbm>>) dst(%arg8 : memref<79x128xi32, #tpu.memory_space<vmem>>)
      tpu.yield
    }) : () -> ()
    %mul3A = arith.constant 632 : i32
    %mul3A_0 = arith.muli %arg1, %mul3A : i32
    "tpu.region"() ({
      %run_scoped3A = tpu.sem_alloc : memref<!tpu.dma_semaphore, #tpu.memory_space<semaphore_mem>>
      %dma_start3A = arith.constant 0 : i32
      %dma_start3A_6 = tpu.memref_slice %arg10[%mul3A_0, %dma_start3A] : memref<10112x128xf32, #tpu.memory_space<vmem_shared>> -> memref<632x128xf32, #tpu.memory_space<vmem_shared>>
      %dma_start3A_7 = arith.constant 0 : i32
      %dma_start3A_8 = tpu.memref_slice %arg5[%mul3A_0, %dma_start3A_7] : memref<10112x128xf32, #tpu.memory_space<hbm>> -> memref<632x128xf32, #tpu.memory_space<hbm>>
      tpu.enqueue_dma source(%dma_start3A_8 : memref<632x128xf32, #tpu.memory_space<hbm>>) target(%dma_start3A_6 : memref<632x128xf32, #tpu.memory_space<vmem_shared>>) target_semaphore(%run_scoped3A : memref<!tpu.dma_semaphore, #tpu.memory_space<semaphore_mem>>)
      %dma_wait3A = arith.constant 0 : i32
      %dma_wait3A_9 = tpu.memref_slice %arg10[%mul3A_0, %dma_wait3A] : memref<10112x128xf32, #tpu.memory_space<vmem_shared>> -> memref<632x128xf32, #tpu.memory_space<vmem_shared>>
      %dma_wait3A_10 = arith.constant 0 : i32
      %dma_wait3A_11 = tpu.memref_slice %arg5[%mul3A_0, %dma_wait3A_10] : memref<10112x128xf32, #tpu.memory_space<hbm>> -> memref<632x128xf32, #tpu.memory_space<hbm>>
      tpu.wait_dma2 semaphore(%run_scoped3A : memref<!tpu.dma_semaphore, #tpu.memory_space<semaphore_mem>>) src(%dma_wait3A_11 : memref<632x128xf32, #tpu.memory_space<hbm>>) dst(%dma_wait3A_9 : memref<632x128xf32, #tpu.memory_space<vmem_shared>>)
      tpu.yield
    }) : () -> ()
    %barrier3A = arith.constant 0 : index
    tpu.barrier barrier_id(%barrier3A)
    %scan3A = arith.constant 0 : i32
    %scan3A_1 = arith.constant 79 : i32
    %scan3A_2 = arith.addi %scan3A, %scan3A_1 : i32
    %scan3A_3 = arith.constant 1 : i32
    scf.for %scan3A_6 = %scan3A to %scan3A_2 step %scan3A_3  : i32 {
      %mul3A_7 = arith.constant 1 : i32
      %mul3A_8 = arith.muli %scan3A_6, %mul3A_7 : i32
      %add3A = arith.constant 0 : i32
      %add3A_9 = arith.addi %add3A, %mul3A_8 : i32
      "tpu.region"() ({
        %run_scoped3A = tpu.sem_alloc : memref<!tpu.dma_semaphore, #tpu.memory_space<semaphore_mem>>
        %dma_start3A = arith.constant 0 : i32
        %dma_start3A_10 = tpu.memref_slice %arg7[%add3A_9, %dma_start3A] : memref<79x128xi32, #tpu.memory_space<vmem>> -> memref<1x128xi32, #tpu.memory_space<vmem>>
        %dma_start3A_11 = tpu.memref_squeeze %dma_start3A_10 : memref<1x128xi32, #tpu.memory_space<vmem>> -> memref<128xi32, #tpu.memory_space<vmem>>
        %dma_start3A_12 = arith.constant 0 : i32
        %dma_start3A_13 = arith.constant 0 : i32
        %dma_start3A_14 = tpu.memref_slice %arg2[%dma_start3A_12, %dma_start3A_13] : memref<10000x128xf32, #tpu.memory_space<hbm>> -> memref<10000x128xf32, #tpu.memory_space<hbm>>
        tpu.enqueue_indirect_dma source(%dma_start3A_14 : memref<10000x128xf32, #tpu.memory_space<hbm>>) target(%arg9 : memref<128x128xf32, #tpu.memory_space<vmem>>) offsets(%dma_start3A_11 : memref<128xi32, #tpu.memory_space<vmem>>) semaphore(%run_scoped3A : memref<!tpu.dma_semaphore, #tpu.memory_space<semaphore_mem>>)
        %dma_wait3A = arith.constant 0 : i32
        %dma_wait3A_15 = tpu.memref_slice %arg7[%add3A_9, %dma_wait3A] : memref<79x128xi32, #tpu.memory_space<vmem>> -> memref<1x128xi32, #tpu.memory_space<vmem>>
        %dma_wait3A_16 = tpu.memref_squeeze %dma_wait3A_15 : memref<1x128xi32, #tpu.memory_space<vmem>> -> memref<128xi32, #tpu.memory_space<vmem>>
        %dma_wait3A_17 = arith.constant 0 : i32
        %dma_wait3A_18 = arith.constant 0 : i32
        %dma_wait3A_19 = tpu.memref_slice %arg2[%dma_wait3A_17, %dma_wait3A_18] : memref<10000x128xf32, #tpu.memory_space<hbm>> -> memref<10000x128xf32, #tpu.memory_space<hbm>>
        tpu.wait_indirect_dma semaphore(%run_scoped3A : memref<!tpu.dma_semaphore, #tpu.memory_space<semaphore_mem>>) src(%dma_wait3A_19 : memref<10000x128xf32, #tpu.memory_space<hbm>>) dst(%arg9 : memref<128x128xf32, #tpu.memory_space<vmem>>)
        tpu.yield
      }) : () -> ()
      "tpu.region"() ({
        %run_scoped3A = tpu.sem_alloc : memref<!tpu.dma_semaphore, #tpu.memory_space<semaphore_mem>>
        %dma_start3A = arith.constant 0 : i32
        %dma_start3A_10 = tpu.memref_slice %arg8[%add3A_9, %dma_start3A] : memref<79x128xi32, #tpu.memory_space<vmem>> -> memref<1x128xi32, #tpu.memory_space<vmem>>
        %dma_start3A_11 = tpu.memref_squeeze %dma_start3A_10 : memref<1x128xi32, #tpu.memory_space<vmem>> -> memref<128xi32, #tpu.memory_space<vmem>>
        %dma_start3A_12 = arith.constant 0 : i32
        %dma_start3A_13 = arith.constant 0 : i32
        %dma_start3A_14 = tpu.memref_slice %arg10[%dma_start3A_12, %dma_start3A_13] : memref<10112x128xf32, #tpu.memory_space<vmem_shared>> -> memref<10112x128xf32, #tpu.memory_space<vmem_shared>>
        tpu.enqueue_indirect_dma source(%arg9 : memref<128x128xf32, #tpu.memory_space<vmem>>) target(%dma_start3A_14 : memref<10112x128xf32, #tpu.memory_space<vmem_shared>>) offsets(%dma_start3A_11 : memref<128xi32, #tpu.memory_space<vmem>>) semaphore(%run_scoped3A : memref<!tpu.dma_semaphore, #tpu.memory_space<semaphore_mem>>) {add = true}
        %dma_wait3A = arith.constant 0 : i32
        %dma_wait3A_15 = tpu.memref_slice %arg8[%add3A_9, %dma_wait3A] : memref<79x128xi32, #tpu.memory_space<vmem>> -> memref<1x128xi32, #tpu.memory_space<vmem>>
        %dma_wait3A_16 = tpu.memref_squeeze %dma_wait3A_15 : memref<1x128xi32, #tpu.memory_space<vmem>> -> memref<128xi32, #tpu.memory_space<vmem>>
        %dma_wait3A_17 = arith.constant 0 : i32
        %dma_wait3A_18 = arith.constant 0 : i32
        %dma_wait3A_19 = tpu.memref_slice %arg10[%dma_wait3A_17, %dma_wait3A_18] : memref<10112x128xf32, #tpu.memory_space<vmem_shared>> -> memref<10112x128xf32, #tpu.memory_space<vmem_shared>>
        tpu.wait_indirect_dma semaphore(%run_scoped3A : memref<!tpu.dma_semaphore, #tpu.memory_space<semaphore_mem>>) src(%arg9 : memref<128x128xf32, #tpu.memory_space<vmem>>) dst(%dma_wait3A_19 : memref<10112x128xf32, #tpu.memory_space<vmem_shared>>)
        tpu.yield
      }) : () -> ()
    }
    %scan3A_4 = arith.constant 79 : i32
    %barrier3A_5 = arith.constant 0 : index
    tpu.barrier barrier_id(%barrier3A_5)
    "tpu.region"() ({
      %run_scoped3A = tpu.sem_alloc : memref<!tpu.dma_semaphore, #tpu.memory_space<semaphore_mem>>
      %dma_start3A = arith.constant 0 : i32
      %dma_start3A_6 = tpu.memref_slice %arg6[%arg0, %mul3A_0, %dma_start3A] : memref<2x10112x128xf32, #tpu.memory_space<hbm>> -> memref<1x632x128xf32, #tpu.memory_space<hbm>>
      %dma_start3A_7 = tpu.memref_squeeze %dma_start3A_6 : memref<1x632x128xf32, #tpu.memory_space<hbm>> -> memref<632x128xf32, #tpu.memory_space<hbm>>
      %dma_start3A_8 = arith.constant 0 : i32
      %dma_start3A_9 = tpu.memref_slice %arg10[%mul3A_0, %dma_start3A_8] : memref<10112x128xf32, #tpu.memory_space<vmem_shared>> -> memref<632x128xf32, #tpu.memory_space<vmem_shared>>
      tpu.enqueue_dma source(%dma_start3A_9 : memref<632x128xf32, #tpu.memory_space<vmem_shared>>) target(%dma_start3A_7 : memref<632x128xf32, #tpu.memory_space<hbm>>) target_semaphore(%run_scoped3A : memref<!tpu.dma_semaphore, #tpu.memory_space<semaphore_mem>>)
      %dma_wait3A = arith.constant 0 : i32
      %dma_wait3A_10 = tpu.memref_slice %arg6[%arg0, %mul3A_0, %dma_wait3A] : memref<2x10112x128xf32, #tpu.memory_space<hbm>> -> memref<1x632x128xf32, #tpu.memory_space<hbm>>
      %dma_wait3A_11 = tpu.memref_squeeze %dma_wait3A_10 : memref<1x632x128xf32, #tpu.memory_space<hbm>> -> memref<632x128xf32, #tpu.memory_space<hbm>>
      %dma_wait3A_12 = arith.constant 0 : i32
      %dma_wait3A_13 = tpu.memref_slice %arg10[%mul3A_0, %dma_wait3A_12] : memref<10112x128xf32, #tpu.memory_space<vmem_shared>> -> memref<632x128xf32, #tpu.memory_space<vmem_shared>>
      tpu.wait_dma2 semaphore(%run_scoped3A : memref<!tpu.dma_semaphore, #tpu.memory_space<semaphore_mem>>) src(%dma_wait3A_13 : memref<632x128xf32, #tpu.memory_space<vmem_shared>>) dst(%dma_wait3A_11 : memref<632x128xf32, #tpu.memory_space<hbm>>)
      tpu.yield
    }) : () -> ()
    return
  }
}

#map = affine_map<(d0, d1) -> (0, 0)>
#map1 = affine_map<(d0, d1) -> (0, 0, 0, 0)>
#map2 = affine_map<(d0, d1) -> (0, 0, 0)>
module attributes {stable_mosaic.version = 14 : i64} {
  func.func @k(%arg0: i32, %arg1: i32, %arg2: memref<10000x128xf32, #tpu.memory_space<hbm>>, %arg3: memref<2x16x79x128xi32, #tpu.memory_space<hbm>>, %arg4: memref<2x16x79x128xi32, #tpu.memory_space<hbm>>, %arg5: memref<10112x128xf32, #tpu.memory_space<hbm>>, %arg6: memref<2x10112x128xf32, #tpu.memory_space<hbm>>, %arg7: memref<79x128xi32, #tpu.memory_space<vmem>>, %arg8: memref<79x128xi32, #tpu.memory_space<vmem>>, %arg9: memref<128x128xf32, #tpu.memory_space<vmem>>, %arg10: memref<10112x128xf32, #tpu.memory_space<vmem_shared>>) attributes {dimension_semantics = [#tpu.dimension_semantics<core_parallel>, #tpu.dimension_semantics<subcore_parallel>], iteration_bounds = array<i64: 2, 16>, scalar_prefetch = 0 : i64, scratch_operands = 4 : i64, tpu.core_type = #tpu.core_type<sc_vector_subcore>, window_params = [{transform_indices = #map}, {transform_indices = #map1}, {transform_indices = #map1}, {transform_indices = #map}, {transform_indices = #map2}]} {
    "tpu.region"() ({
      %run_scoped3A = tpu.sem_alloc : memref<!tpu.dma_semaphore, #tpu.memory_space<semaphore_mem>>
      %dma_start3A = arith.constant 0 : i32
      %dma_start3A_6 = arith.constant 0 : i32
      %dma_start3A_7 = tpu.memref_slice %arg3[%arg0, %arg1, %dma_start3A, %dma_start3A_6] : memref<2x16x79x128xi32, #tpu.memory_space<hbm>> -> memref<1x1x79x128xi32, #tpu.memory_space<hbm>>
      %dma_start3A_8 = tpu.memref_squeeze %dma_start3A_7 : memref<1x1x79x128xi32, #tpu.memory_space<hbm>> -> memref<79x128xi32, #tpu.memory_space<hbm>>
      %dma_start3A_9 = arith.constant 0 : i32
      %dma_start3A_10 = arith.constant 0 : i32
      %dma_start3A_11 = tpu.memref_slice %arg3[%arg0, %arg1, %dma_start3A_9, %dma_start3A_10] : memref<2x16x79x128xi32, #tpu.memory_space<hbm>> -> memref<1x1x79x128xi32, #tpu.memory_space<hbm>>
      %dma_start3A_12 = tpu.memref_squeeze %dma_start3A_11 : memref<1x1x79x128xi32, #tpu.memory_space<hbm>> -> memref<79x128xi32, #tpu.memory_space<hbm>>
      tpu.enqueue_dma source(%dma_start3A_12 : memref<79x128xi32, #tpu.memory_space<hbm>>) target(%arg7 : memref<79x128xi32, #tpu.memory_space<vmem>>) target_semaphore(%run_scoped3A : memref<!tpu.dma_semaphore, #tpu.memory_space<semaphore_mem>>)
      %dma_wait3A = arith.constant 0 : i32
      %dma_wait3A_13 = arith.constant 0 : i32
      %dma_wait3A_14 = tpu.memref_slice %arg3[%arg0, %arg1, %dma_wait3A, %dma_wait3A_13] : memref<2x16x79x128xi32, #tpu.memory_space<hbm>> -> memref<1x1x79x128xi32, #tpu.memory_space<hbm>>
      %dma_wait3A_15 = tpu.memref_squeeze %dma_wait3A_14 : memref<1x1x79x128xi32, #tpu.memory_space<hbm>> -> memref<79x128xi32, #tpu.memory_space<hbm>>
      %dma_wait3A_16 = arith.constant 0 : i32
      %dma_wait3A_17 = arith.constant 0 : i32
      %dma_wait3A_18 = tpu.memref_slice %arg3[%arg0, %arg1, %dma_wait3A_16, %dma_wait3A_17] : memref<2x16x79x128xi32, #tpu.memory_space<hbm>> -> memref<1x1x79x128xi32, #tpu.memory_space<hbm>>
      %dma_wait3A_19 = tpu.memref_squeeze %dma_wait3A_18 : memref<1x1x79x128xi32, #tpu.memory_space<hbm>> -> memref<79x128xi32, #tpu.memory_space<hbm>>
      tpu.wait_dma2 semaphore(%run_scoped3A : memref<!tpu.dma_semaphore, #tpu.memory_space<semaphore_mem>>) src(%dma_wait3A_19 : memref<79x128xi32, #tpu.memory_space<hbm>>) dst(%arg7 : memref<79x128xi32, #tpu.memory_space<vmem>>)
      tpu.yield
    }) : () -> ()
    "tpu.region"() ({
      %run_scoped3A = tpu.sem_alloc : memref<!tpu.dma_semaphore, #tpu.memory_space<semaphore_mem>>
      %dma_start3A = arith.constant 0 : i32
      %dma_start3A_6 = arith.constant 0 : i32
      %dma_start3A_7 = tpu.memref_slice %arg4[%arg0, %arg1, %dma_start3A, %dma_start3A_6] : memref<2x16x79x128xi32, #tpu.memory_space<hbm>> -> memref<1x1x79x128xi32, #tpu.memory_space<hbm>>
      %dma_start3A_8 = tpu.memref_squeeze %dma_start3A_7 : memref<1x1x79x128xi32, #tpu.memory_space<hbm>> -> memref<79x128xi32, #tpu.memory_space<hbm>>
      %dma_start3A_9 = arith.constant 0 : i32
      %dma_start3A_10 = arith.constant 0 : i32
      %dma_start3A_11 = tpu.memref_slice %arg4[%arg0, %arg1, %dma_start3A_9, %dma_start3A_10] : memref<2x16x79x128xi32, #tpu.memory_space<hbm>> -> memref<1x1x79x128xi32, #tpu.memory_space<hbm>>
      %dma_start3A_12 = tpu.memref_squeeze %dma_start3A_11 : memref<1x1x79x128xi32, #tpu.memory_space<hbm>> -> memref<79x128xi32, #tpu.memory_space<hbm>>
      tpu.enqueue_dma source(%dma_start3A_12 : memref<79x128xi32, #tpu.memory_space<hbm>>) target(%arg8 : memref<79x128xi32, #tpu.memory_space<vmem>>) target_semaphore(%run_scoped3A : memref<!tpu.dma_semaphore, #tpu.memory_space<semaphore_mem>>)
      %dma_wait3A = arith.constant 0 : i32
      %dma_wait3A_13 = arith.constant 0 : i32
      %dma_wait3A_14 = tpu.memref_slice %arg4[%arg0, %arg1, %dma_wait3A, %dma_wait3A_13] : memref<2x16x79x128xi32, #tpu.memory_space<hbm>> -> memref<1x1x79x128xi32, #tpu.memory_space<hbm>>
      %dma_wait3A_15 = tpu.memref_squeeze %dma_wait3A_14 : memref<1x1x79x128xi32, #tpu.memory_space<hbm>> -> memref<79x128xi32, #tpu.memory_space<hbm>>
      %dma_wait3A_16 = arith.constant 0 : i32
      %dma_wait3A_17 = arith.constant 0 : i32
      %dma_wait3A_18 = tpu.memref_slice %arg4[%arg0, %arg1, %dma_wait3A_16, %dma_wait3A_17] : memref<2x16x79x128xi32, #tpu.memory_space<hbm>> -> memref<1x1x79x128xi32, #tpu.memory_space<hbm>>
      %dma_wait3A_19 = tpu.memref_squeeze %dma_wait3A_18 : memref<1x1x79x128xi32, #tpu.memory_space<hbm>> -> memref<79x128xi32, #tpu.memory_space<hbm>>
      tpu.wait_dma2 semaphore(%run_scoped3A : memref<!tpu.dma_semaphore, #tpu.memory_space<semaphore_mem>>) src(%dma_wait3A_19 : memref<79x128xi32, #tpu.memory_space<hbm>>) dst(%arg8 : memref<79x128xi32, #tpu.memory_space<vmem>>)
      tpu.yield
    }) : () -> ()
    %mul3A = arith.constant 632 : i32
    %mul3A_0 = arith.muli %arg1, %mul3A : i32
    "tpu.region"() ({
      %run_scoped3A = tpu.sem_alloc : memref<!tpu.dma_semaphore, #tpu.memory_space<semaphore_mem>>
      %dma_start3A = arith.constant 0 : i32
      %dma_start3A_6 = tpu.memref_slice %arg10[%mul3A_0, %dma_start3A] : memref<10112x128xf32, #tpu.memory_space<vmem_shared>> -> memref<632x128xf32, #tpu.memory_space<vmem_shared>>
      %dma_start3A_7 = arith.constant 0 : i32
      %dma_start3A_8 = tpu.memref_slice %arg5[%mul3A_0, %dma_start3A_7] : memref<10112x128xf32, #tpu.memory_space<hbm>> -> memref<632x128xf32, #tpu.memory_space<hbm>>
      tpu.enqueue_dma source(%dma_start3A_8 : memref<632x128xf32, #tpu.memory_space<hbm>>) target(%dma_start3A_6 : memref<632x128xf32, #tpu.memory_space<vmem_shared>>) target_semaphore(%run_scoped3A : memref<!tpu.dma_semaphore, #tpu.memory_space<semaphore_mem>>)
      %dma_wait3A = arith.constant 0 : i32
      %dma_wait3A_9 = tpu.memref_slice %arg10[%mul3A_0, %dma_wait3A] : memref<10112x128xf32, #tpu.memory_space<vmem_shared>> -> memref<632x128xf32, #tpu.memory_space<vmem_shared>>
      %dma_wait3A_10 = arith.constant 0 : i32
      %dma_wait3A_11 = tpu.memref_slice %arg5[%mul3A_0, %dma_wait3A_10] : memref<10112x128xf32, #tpu.memory_space<hbm>> -> memref<632x128xf32, #tpu.memory_space<hbm>>
      tpu.wait_dma2 semaphore(%run_scoped3A : memref<!tpu.dma_semaphore, #tpu.memory_space<semaphore_mem>>) src(%dma_wait3A_11 : memref<632x128xf32, #tpu.memory_space<hbm>>) dst(%dma_wait3A_9 : memref<632x128xf32, #tpu.memory_space<vmem_shared>>)
      tpu.yield
    }) : () -> ()
    %barrier3A = arith.constant 0 : index
    tpu.barrier barrier_id(%barrier3A)
    %scan3A = arith.constant 0 : i32
    %scan3A_1 = arith.constant 79 : i32
    %scan3A_2 = arith.addi %scan3A, %scan3A_1 : i32
    %scan3A_3 = arith.constant 1 : i32
    scf.for %scan3A_6 = %scan3A to %scan3A_2 step %scan3A_3  : i32 {
      %mul3A_7 = arith.constant 1 : i32
      %mul3A_8 = arith.muli %scan3A_6, %mul3A_7 : i32
      %add3A = arith.constant 0 : i32
      %add3A_9 = arith.addi %add3A, %mul3A_8 : i32
      "tpu.region"() ({
        %run_scoped3A = tpu.sem_alloc : memref<!tpu.dma_semaphore, #tpu.memory_space<semaphore_mem>>
        %dma_start3A = arith.constant 0 : i32
        %dma_start3A_10 = tpu.memref_slice %arg7[%add3A_9, %dma_start3A] : memref<79x128xi32, #tpu.memory_space<vmem>> -> memref<1x128xi32, #tpu.memory_space<vmem>>
        %dma_start3A_11 = tpu.memref_squeeze %dma_start3A_10 : memref<1x128xi32, #tpu.memory_space<vmem>> -> memref<128xi32, #tpu.memory_space<vmem>>
        %dma_start3A_12 = arith.constant 0 : i32
        %dma_start3A_13 = arith.constant 0 : i32
        %dma_start3A_14 = tpu.memref_slice %arg2[%dma_start3A_12, %dma_start3A_13] : memref<10000x128xf32, #tpu.memory_space<hbm>> -> memref<10000x128xf32, #tpu.memory_space<hbm>>
        tpu.enqueue_indirect_dma source(%dma_start3A_14 : memref<10000x128xf32, #tpu.memory_space<hbm>>) target(%arg9 : memref<128x128xf32, #tpu.memory_space<vmem>>) offsets(%dma_start3A_11 : memref<128xi32, #tpu.memory_space<vmem>>) semaphore(%run_scoped3A : memref<!tpu.dma_semaphore, #tpu.memory_space<semaphore_mem>>)
        %dma_wait3A = arith.constant 0 : i32
        %dma_wait3A_15 = tpu.memref_slice %arg7[%add3A_9, %dma_wait3A] : memref<79x128xi32, #tpu.memory_space<vmem>> -> memref<1x128xi32, #tpu.memory_space<vmem>>
        %dma_wait3A_16 = tpu.memref_squeeze %dma_wait3A_15 : memref<1x128xi32, #tpu.memory_space<vmem>> -> memref<128xi32, #tpu.memory_space<vmem>>
        %dma_wait3A_17 = arith.constant 0 : i32
        %dma_wait3A_18 = arith.constant 0 : i32
        %dma_wait3A_19 = tpu.memref_slice %arg2[%dma_wait3A_17, %dma_wait3A_18] : memref<10000x128xf32, #tpu.memory_space<hbm>> -> memref<10000x128xf32, #tpu.memory_space<hbm>>
        tpu.wait_indirect_dma semaphore(%run_scoped3A : memref<!tpu.dma_semaphore, #tpu.memory_space<semaphore_mem>>) src(%dma_wait3A_19 : memref<10000x128xf32, #tpu.memory_space<hbm>>) dst(%arg9 : memref<128x128xf32, #tpu.memory_space<vmem>>)
        tpu.yield
      }) : () -> ()
      "tpu.region"() ({
        %run_scoped3A = tpu.sem_alloc : memref<!tpu.dma_semaphore, #tpu.memory_space<semaphore_mem>>
        %dma_start3A = arith.constant 0 : i32
        %dma_start3A_10 = tpu.memref_slice %arg8[%add3A_9, %dma_start3A] : memref<79x128xi32, #tpu.memory_space<vmem>> -> memref<1x128xi32, #tpu.memory_space<vmem>>
        %dma_start3A_11 = tpu.memref_squeeze %dma_start3A_10 : memref<1x128xi32, #tpu.memory_space<vmem>> -> memref<128xi32, #tpu.memory_space<vmem>>
        %dma_start3A_12 = arith.constant 0 : i32
        %dma_start3A_13 = arith.constant 0 : i32
        %dma_start3A_14 = tpu.memref_slice %arg10[%dma_start3A_12, %dma_start3A_13] : memref<10112x128xf32, #tpu.memory_space<vmem_shared>> -> memref<10112x128xf32, #tpu.memory_space<vmem_shared>>
        tpu.enqueue_indirect_dma source(%arg9 : memref<128x128xf32, #tpu.memory_space<vmem>>) target(%dma_start3A_14 : memref<10112x128xf32, #tpu.memory_space<vmem_shared>>) offsets(%dma_start3A_11 : memref<128xi32, #tpu.memory_space<vmem>>) semaphore(%run_scoped3A : memref<!tpu.dma_semaphore, #tpu.memory_space<semaphore_mem>>) {add = true}
        %dma_wait3A = arith.constant 0 : i32
        %dma_wait3A_15 = tpu.memref_slice %arg8[%add3A_9, %dma_wait3A] : memref<79x128xi32, #tpu.memory_space<vmem>> -> memref<1x128xi32, #tpu.memory_space<vmem>>
        %dma_wait3A_16 = tpu.memref_squeeze %dma_wait3A_15 : memref<1x128xi32, #tpu.memory_space<vmem>> -> memref<128xi32, #tpu.memory_space<vmem>>
        %dma_wait3A_17 = arith.constant 0 : i32
        %dma_wait3A_18 = arith.constant 0 : i32
        %dma_wait3A_19 = tpu.memref_slice %arg10[%dma_wait3A_17, %dma_wait3A_18] : memref<10112x128xf32, #tpu.memory_space<vmem_shared>> -> memref<10112x128xf32, #tpu.memory_space<vmem_shared>>
        tpu.wait_indirect_dma semaphore(%run_scoped3A : memref<!tpu.dma_semaphore, #tpu.memory_space<semaphore_mem>>) src(%arg9 : memref<128x128xf32, #tpu.memory_space<vmem>>) dst(%dma_wait3A_19 : memref<10112x128xf32, #tpu.memory_space<vmem_shared>>)
        tpu.yield
      }) : () -> ()
    }
    %scan3A_4 = arith.constant 79 : i32
    %barrier3A_5 = arith.constant 0 : index
    tpu.barrier barrier_id(%barrier3A_5)
    "tpu.region"() ({
      %run_scoped3A = tpu.sem_alloc : memref<!tpu.dma_semaphore, #tpu.memory_space<semaphore_mem>>
      %dma_start3A = arith.constant 0 : i32
      %dma_start3A_6 = tpu.memref_slice %arg6[%arg0, %mul3A_0, %dma_start3A] : memref<2x10112x128xf32, #tpu.memory_space<hbm>> -> memref<1x632x128xf32, #tpu.memory_space<hbm>>
      %dma_start3A_7 = tpu.memref_squeeze %dma_start3A_6 : memref<1x632x128xf32, #tpu.memory_space<hbm>> -> memref<632x128xf32, #tpu.memory_space<hbm>>
      %dma_start3A_8 = arith.constant 0 : i32
      %dma_start3A_9 = tpu.memref_slice %arg10[%mul3A_0, %dma_start3A_8] : memref<10112x128xf32, #tpu.memory_space<vmem_shared>> -> memref<632x128xf32, #tpu.memory_space<vmem_shared>>
      tpu.enqueue_dma source(%dma_start3A_9 : memref<632x128xf32, #tpu.memory_space<vmem_shared>>) target(%dma_start3A_7 : memref<632x128xf32, #tpu.memory_space<hbm>>) target_semaphore(%run_scoped3A : memref<!tpu.dma_semaphore, #tpu.memory_space<semaphore_mem>>)
      %dma_wait3A = arith.constant 0 : i32
      %dma_wait3A_10 = tpu.memref_slice %arg6[%arg0, %mul3A_0, %dma_wait3A] : memref<2x10112x128xf32, #tpu.memory_space<hbm>> -> memref<1x632x128xf32, #tpu.memory_space<hbm>>
      %dma_wait3A_11 = tpu.memref_squeeze %dma_wait3A_10 : memref<1x632x128xf32, #tpu.memory_space<hbm>> -> memref<632x128xf32, #tpu.memory_space<hbm>>
      %dma_wait3A_12 = arith.constant 0 : i32
      %dma_wait3A_13 = tpu.memref_slice %arg10[%mul3A_0, %dma_wait3A_12] : memref<10112x128xf32, #tpu.memory_space<vmem_shared>> -> memref<632x128xf32, #tpu.memory_space<vmem_shared>>
      tpu.wait_dma2 semaphore(%run_scoped3A : memref<!tpu.dma_semaphore, #tpu.memory_space<semaphore_mem>>) src(%dma_wait3A_13 : memref<632x128xf32, #tpu.memory_space<vmem_shared>>) dst(%dma_wait3A_11 : memref<632x128xf32, #tpu.memory_space<hbm>>)
      tpu.yield
    }) : () -> ()
    return
  }
}

#map = affine_map<(d0, d1) -> (0, 0)>
#map1 = affine_map<(d0, d1) -> (0, 0, 0, 0)>
module attributes {stable_mosaic.version = 14 : i64} {
  func.func @k(%arg0: i32, %arg1: i32, %arg2: memref<10000x128xf32, #tpu.memory_space<hbm>>, %arg3: memref<2x16x50x128xi32, #tpu.memory_space<hbm>>, %arg4: memref<204800x128xf32, #tpu.memory_space<hbm>>, %arg5: memref<50x128xi32, #tpu.memory_space<vmem>>, %arg6: memref<128x128xf32, #tpu.memory_space<vmem>>) attributes {dimension_semantics = [#tpu.dimension_semantics<core_parallel>, #tpu.dimension_semantics<subcore_parallel>], iteration_bounds = array<i64: 2, 16>, scalar_prefetch = 0 : i64, scratch_operands = 2 : i64, tpu.core_type = #tpu.core_type<sc_vector_subcore>, window_params = [{transform_indices = #map}, {transform_indices = #map1}, {transform_indices = #map}]} {
    %mul3A = arith.constant 16 : i32
    %mul3A_0 = arith.muli %arg0, %mul3A : i32
    %add3A = arith.addi %mul3A_0, %arg1 : i32
    %mul3A_1 = arith.constant 6400 : i32
    %mul3A_2 = arith.muli %add3A, %mul3A_1 : i32
    "tpu.region"() ({
      %run_scoped3A = tpu.sem_alloc : memref<!tpu.dma_semaphore, #tpu.memory_space<semaphore_mem>>
      %dma_start3A = arith.constant 0 : i32
      %dma_start3A_7 = arith.constant 0 : i32
      %dma_start3A_8 = tpu.memref_slice %arg3[%arg0, %arg1, %dma_start3A, %dma_start3A_7] : memref<2x16x50x128xi32, #tpu.memory_space<hbm>> -> memref<1x1x50x128xi32, #tpu.memory_space<hbm>>
      %dma_start3A_9 = tpu.memref_squeeze %dma_start3A_8 : memref<1x1x50x128xi32, #tpu.memory_space<hbm>> -> memref<50x128xi32, #tpu.memory_space<hbm>>
      %dma_start3A_10 = arith.constant 0 : i32
      %dma_start3A_11 = arith.constant 0 : i32
      %dma_start3A_12 = tpu.memref_slice %arg3[%arg0, %arg1, %dma_start3A_10, %dma_start3A_11] : memref<2x16x50x128xi32, #tpu.memory_space<hbm>> -> memref<1x1x50x128xi32, #tpu.memory_space<hbm>>
      %dma_start3A_13 = tpu.memref_squeeze %dma_start3A_12 : memref<1x1x50x128xi32, #tpu.memory_space<hbm>> -> memref<50x128xi32, #tpu.memory_space<hbm>>
      tpu.enqueue_dma source(%dma_start3A_13 : memref<50x128xi32, #tpu.memory_space<hbm>>) target(%arg5 : memref<50x128xi32, #tpu.memory_space<vmem>>) target_semaphore(%run_scoped3A : memref<!tpu.dma_semaphore, #tpu.memory_space<semaphore_mem>>)
      %dma_wait3A = arith.constant 0 : i32
      %dma_wait3A_14 = arith.constant 0 : i32
      %dma_wait3A_15 = tpu.memref_slice %arg3[%arg0, %arg1, %dma_wait3A, %dma_wait3A_14] : memref<2x16x50x128xi32, #tpu.memory_space<hbm>> -> memref<1x1x50x128xi32, #tpu.memory_space<hbm>>
      %dma_wait3A_16 = tpu.memref_squeeze %dma_wait3A_15 : memref<1x1x50x128xi32, #tpu.memory_space<hbm>> -> memref<50x128xi32, #tpu.memory_space<hbm>>
      %dma_wait3A_17 = arith.constant 0 : i32
      %dma_wait3A_18 = arith.constant 0 : i32
      %dma_wait3A_19 = tpu.memref_slice %arg3[%arg0, %arg1, %dma_wait3A_17, %dma_wait3A_18] : memref<2x16x50x128xi32, #tpu.memory_space<hbm>> -> memref<1x1x50x128xi32, #tpu.memory_space<hbm>>
      %dma_wait3A_20 = tpu.memref_squeeze %dma_wait3A_19 : memref<1x1x50x128xi32, #tpu.memory_space<hbm>> -> memref<50x128xi32, #tpu.memory_space<hbm>>
      tpu.wait_dma2 semaphore(%run_scoped3A : memref<!tpu.dma_semaphore, #tpu.memory_space<semaphore_mem>>) src(%dma_wait3A_20 : memref<50x128xi32, #tpu.memory_space<hbm>>) dst(%arg5 : memref<50x128xi32, #tpu.memory_space<vmem>>)
      tpu.yield
    }) : () -> ()
    %scan3A = arith.constant 0 : i32
    %scan3A_3 = arith.constant 50 : i32
    %scan3A_4 = arith.addi %scan3A, %scan3A_3 : i32
    %scan3A_5 = arith.constant 1 : i32
    scf.for %scan3A_7 = %scan3A to %scan3A_4 step %scan3A_5  : i32 {
      %mul3A_8 = arith.constant 1 : i32
      %mul3A_9 = arith.muli %scan3A_7, %mul3A_8 : i32
      %add3A_10 = arith.constant 0 : i32
      %add3A_11 = arith.addi %add3A_10, %mul3A_9 : i32
      "tpu.region"() ({
        %run_scoped3A = tpu.sem_alloc : memref<!tpu.dma_semaphore, #tpu.memory_space<semaphore_mem>>
        %dma_start3A = arith.constant 0 : i32
        %dma_start3A_15 = tpu.memref_slice %arg5[%add3A_11, %dma_start3A] : memref<50x128xi32, #tpu.memory_space<vmem>> -> memref<1x128xi32, #tpu.memory_space<vmem>>
        %dma_start3A_16 = tpu.memref_squeeze %dma_start3A_15 : memref<1x128xi32, #tpu.memory_space<vmem>> -> memref<128xi32, #tpu.memory_space<vmem>>
        %dma_start3A_17 = arith.constant 0 : i32
        %dma_start3A_18 = arith.constant 0 : i32
        %dma_start3A_19 = tpu.memref_slice %arg2[%dma_start3A_17, %dma_start3A_18] : memref<10000x128xf32, #tpu.memory_space<hbm>> -> memref<10000x128xf32, #tpu.memory_space<hbm>>
        tpu.enqueue_indirect_dma source(%dma_start3A_19 : memref<10000x128xf32, #tpu.memory_space<hbm>>) target(%arg6 : memref<128x128xf32, #tpu.memory_space<vmem>>) offsets(%dma_start3A_16 : memref<128xi32, #tpu.memory_space<vmem>>) semaphore(%run_scoped3A : memref<!tpu.dma_semaphore, #tpu.memory_space<semaphore_mem>>)
        %dma_wait3A = arith.constant 0 : i32
        %dma_wait3A_20 = tpu.memref_slice %arg5[%add3A_11, %dma_wait3A] : memref<50x128xi32, #tpu.memory_space<vmem>> -> memref<1x128xi32, #tpu.memory_space<vmem>>
        %dma_wait3A_21 = tpu.memref_squeeze %dma_wait3A_20 : memref<1x128xi32, #tpu.memory_space<vmem>> -> memref<128xi32, #tpu.memory_space<vmem>>
        %dma_wait3A_22 = arith.constant 0 : i32
        %dma_wait3A_23 = arith.constant 0 : i32
        %dma_wait3A_24 = tpu.memref_slice %arg2[%dma_wait3A_22, %dma_wait3A_23] : memref<10000x128xf32, #tpu.memory_space<hbm>> -> memref<10000x128xf32, #tpu.memory_space<hbm>>
        tpu.wait_indirect_dma semaphore(%run_scoped3A : memref<!tpu.dma_semaphore, #tpu.memory_space<semaphore_mem>>) src(%dma_wait3A_24 : memref<10000x128xf32, #tpu.memory_space<hbm>>) dst(%arg6 : memref<128x128xf32, #tpu.memory_space<vmem>>)
        tpu.yield
      }) : () -> ()
      %mul3A_12 = arith.constant 128 : i32
      %mul3A_13 = arith.muli %add3A_11, %mul3A_12 : i32
      %add3A_14 = arith.addi %mul3A_2, %mul3A_13 : i32
      "tpu.region"() ({
        %run_scoped3A = tpu.sem_alloc : memref<!tpu.dma_semaphore, #tpu.memory_space<semaphore_mem>>
        %dma_start3A = arith.constant 0 : i32
        %dma_start3A_15 = tpu.memref_slice %arg4[%add3A_14, %dma_start3A] : memref<204800x128xf32, #tpu.memory_space<hbm>> -> memref<128x128xf32, #tpu.memory_space<hbm>>
        %dma_start3A_16 = arith.constant 0 : i32
        %dma_start3A_17 = tpu.memref_slice %arg4[%add3A_14, %dma_start3A_16] : memref<204800x128xf32, #tpu.memory_space<hbm>> -> memref<128x128xf32, #tpu.memory_space<hbm>>
        tpu.enqueue_dma source(%arg6 : memref<128x128xf32, #tpu.memory_space<vmem>>) target(%dma_start3A_17 : memref<128x128xf32, #tpu.memory_space<hbm>>) target_semaphore(%run_scoped3A : memref<!tpu.dma_semaphore, #tpu.memory_space<semaphore_mem>>)
        %dma_wait3A = arith.constant 0 : i32
        %dma_wait3A_18 = tpu.memref_slice %arg4[%add3A_14, %dma_wait3A] : memref<204800x128xf32, #tpu.memory_space<hbm>> -> memref<128x128xf32, #tpu.memory_space<hbm>>
        %dma_wait3A_19 = arith.constant 0 : i32
        %dma_wait3A_20 = tpu.memref_slice %arg4[%add3A_14, %dma_wait3A_19] : memref<204800x128xf32, #tpu.memory_space<hbm>> -> memref<128x128xf32, #tpu.memory_space<hbm>>
        tpu.wait_dma2 semaphore(%run_scoped3A : memref<!tpu.dma_semaphore, #tpu.memory_space<semaphore_mem>>) src(%arg6 : memref<128x128xf32, #tpu.memory_space<vmem>>) dst(%dma_wait3A_20 : memref<128x128xf32, #tpu.memory_space<hbm>>)
        tpu.yield
      }) : () -> ()
    }
    %scan3A_6 = arith.constant 50 : i32
    return
  }
}

module attributes {stable_mosaic.version = 14 : i64} {
  func.func @body(%arg0: i32, %arg1: memref<2x1000x128xf32, #tpu.memory_space<vmem>>, %arg2: memref<1000x128xf32, #tpu.memory_space<vmem>>, %arg3: memref<128x128xf32, #tpu.memory_space<vmem>>, %arg4: memref<1000x128xf32, #tpu.memory_space<vmem>>, %arg5: memref<1000x128xf32, #tpu.memory_space<vmem>>) attributes {dimension_semantics = [#tpu.dimension_semantics<arbitrary>], iteration_bounds = array<i64: 10>, scalar_prefetch = 0 : i64, scratch_operands = 0 : i64, tpu.core_type = #tpu.core_type<tc>, window_params = [{transform_indices = @transform_0, window_bounds = array<i64: 2, 1000, 128>}, {transform_indices = @transform_1, window_bounds = array<i64: 1000, 128>}, {pipeline_mode = #tpu.pipeline_mode<synchronous>, transform_indices = @transform_2, window_bounds = array<i64: 128, 128>}, {transform_indices = @transform_3, window_bounds = array<i64: 1000, 128>}, {transform_indices = @transform_4, window_bounds = array<i64: 1000, 128>}]} {
    %get3A = arith.constant 0 : index
    %get3A_0 = arith.constant 0 : index
    %get3A_1 = arith.constant 0 : index
    %get3A_2 = vector.load %arg1[%get3A, %get3A_0, %get3A_1] : memref<2x1000x128xf32, #tpu.memory_space<vmem>>, vector<1x1000x128xf32>
    %get3A_3 = vector.shape_cast %get3A_2 : vector<1x1000x128xf32> to vector<1000x128xf32>
    %get3A_4 = arith.constant 1 : index
    %get3A_5 = arith.constant 0 : index
    %get3A_6 = arith.constant 0 : index
    %get3A_7 = vector.load %arg1[%get3A_4, %get3A_5, %get3A_6] : memref<2x1000x128xf32, #tpu.memory_space<vmem>>, vector<1x1000x128xf32>
    %get3A_8 = vector.shape_cast %get3A_7 : vector<1x1000x128xf32> to vector<1000x128xf32>
    %add3A = arith.addf %get3A_3, %get3A_8 : vector<1000x128xf32>
    %add3A_9 = arith.constant 1.000000e+00 : f32
    %add3A_10 = vector.broadcast %add3A_9 : f32 to vector<1000x128xf32>
    %add3A_11 = arith.addf %add3A, %add3A_10 : vector<1000x128xf32>
    %rsqrt3A = math.rsqrt %add3A_11 : vector<1000x128xf32>
    %get3A_12 = arith.constant 0 : index
    %get3A_13 = arith.constant 0 : index
    %get3A_14 = vector.load %arg2[%get3A_12, %get3A_13] : memref<1000x128xf32, #tpu.memory_space<vmem>>, vector<1000x128xf32>
    %get3A_15 = arith.constant 0 : index
    %get3A_16 = arith.constant 0 : index
    %get3A_17 = vector.load %arg3[%get3A_15, %get3A_16] : memref<128x128xf32, #tpu.memory_space<vmem>>, vector<128x128xf32>
    %dot_general3A = arith.constant dense<0.000000e+00> : vector<1000x128xf32>
    %dot_general3A_18 = tpu.matmul %get3A_14, %get3A_17, %dot_general3A {dimension_numbers = #tpu.dot_dimension_numbers<[1], [0], [0], [1], [0, 0, 1, 1], [], []>, precision = #tpu.contract_precision<fp32>, transpose_lhs_hint = false} : vector<1000x128xf32>, vector<128x128xf32>, vector<1000x128xf32> -> vector<1000x128xf32>
    %swap3A = arith.constant 0 : index
    %swap3A_19 = arith.constant 0 : index
    %swap3A_20 = vector.load %arg4[%swap3A, %swap3A_19] : memref<1000x128xf32, #tpu.memory_space<vmem>>, vector<1000x128xf32>
    tpu.vector_store %arg4[%swap3A, %swap3A_19], %rsqrt3A {strides = array<i32>} : memref<1000x128xf32, #tpu.memory_space<vmem>>, vector<1000x128xf32>,
    %mul3A = arith.mulf %dot_general3A_18, %rsqrt3A : vector<1000x128xf32>
    %swap3A_21 = arith.constant 0 : index
    %swap3A_22 = arith.constant 0 : index
    %swap3A_23 = vector.load %arg5[%swap3A_21, %swap3A_22] : memref<1000x128xf32, #tpu.memory_space<vmem>>, vector<1000x128xf32>
    tpu.vector_store %arg5[%swap3A_21, %swap3A_22], %mul3A {strides = array<i32>} : memref<1000x128xf32, #tpu.memory_space<vmem>>, vector<1000x128xf32>,
    return
  }
  func.func @transform_0(%arg0: i32) -> (i32, i32, i32) {
    %c0_i32 = arith.constant 0 : i32
    %c0_i32_0 = arith.constant 0 : i32
    %c0_i32_1 = arith.constant 0 : i32
    return %c0_i32, %arg0, %c0_i32_0 : i32, i32, i32
  }
  func.func @transform_1(%arg0: i32) -> (i32, i32) {
    %c0_i32 = arith.constant 0 : i32
    %c0_i32_0 = arith.constant 0 : i32
    return %arg0, %c0_i32 : i32, i32
  }
  func.func @transform_2(%arg0: i32) -> (i32, i32) {
    %c0_i32 = arith.constant 0 : i32
    %c0_i32_0 = arith.constant 0 : i32
    %c0_i32_1 = arith.constant 0 : i32
    return %c0_i32, %c0_i32_0 : i32, i32
  }
  func.func @transform_3(%arg0: i32) -> (i32, i32) {
    %c0_i32 = arith.constant 0 : i32
    %c0_i32_0 = arith.constant 0 : i32
    return %arg0, %c0_i32 : i32, i32
  }
  func.func @transform_4(%arg0: i32) -> (i32, i32) {
    %c0_i32 = arith.constant 0 : i32
    %c0_i32_0 = arith.constant 0 : i32
    return %arg0, %c0_i32 : i32, i32
  }
}

module attributes {stable_mosaic.version = 14 : i64} {
  func.func @body(%arg0: i32, %arg1: memref<2x1000x128xf32, #tpu.memory_space<vmem>>, %arg2: memref<1000x128xf32, #tpu.memory_space<vmem>>, %arg3: memref<1000x128xf32, #tpu.memory_space<vmem>>, %arg4: memref<1x128xf32, #tpu.memory_space<vmem>>, %arg5: memref<128x128xf32, #tpu.memory_space<vmem>>, %arg6: memref<1000x128xf32, #tpu.memory_space<vmem>>) attributes {dimension_semantics = [#tpu.dimension_semantics<arbitrary>], iteration_bounds = array<i64: 10>, scalar_prefetch = 0 : i64, scratch_operands = 0 : i64, tpu.core_type = #tpu.core_type<tc>, window_params = [{transform_indices = @transform_0, window_bounds = array<i64: 2, 1000, 128>}, {transform_indices = @transform_1, window_bounds = array<i64: 1000, 128>}, {transform_indices = @transform_2, window_bounds = array<i64: 1000, 128>}, {pipeline_mode = #tpu.pipeline_mode<synchronous>, transform_indices = @transform_3, window_bounds = array<i64: 1, 128>}, {pipeline_mode = #tpu.pipeline_mode<synchronous>, transform_indices = @transform_4, window_bounds = array<i64: 128, 128>}, {transform_indices = @transform_5, window_bounds = array<i64: 1000, 128>}]} {
    %get3A = arith.constant 0 : index
    %get3A_0 = arith.constant 0 : index
    %get3A_1 = vector.load %arg3[%get3A, %get3A_0] : memref<1000x128xf32, #tpu.memory_space<vmem>>, vector<1000x128xf32>
    %get3A_2 = arith.constant 0 : index
    %get3A_3 = arith.constant 0 : index
    %get3A_4 = arith.constant 0 : index
    %get3A_5 = vector.load %arg1[%get3A_2, %get3A_3, %get3A_4] : memref<2x1000x128xf32, #tpu.memory_space<vmem>>, vector<1x1000x128xf32>
    %get3A_6 = vector.shape_cast %get3A_5 : vector<1x1000x128xf32> to vector<1000x128xf32>
    %get3A_7 = arith.constant 1 : index
    %get3A_8 = arith.constant 0 : index
    %get3A_9 = arith.constant 0 : index
    %get3A_10 = vector.load %arg1[%get3A_7, %get3A_8, %get3A_9] : memref<2x1000x128xf32, #tpu.memory_space<vmem>>, vector<1x1000x128xf32>
    %get3A_11 = vector.shape_cast %get3A_10 : vector<1x1000x128xf32> to vector<1000x128xf32>
    %add3A = arith.addf %get3A_6, %get3A_11 : vector<1000x128xf32>
    %get3A_12 = arith.constant 0 : index
    %get3A_13 = arith.constant 0 : index
    %get3A_14 = vector.load %arg2[%get3A_12, %get3A_13] : memref<1000x128xf32, #tpu.memory_space<vmem>>, vector<1000x128xf32>
    %add3A_15 = arith.addf %add3A, %get3A_14 : vector<1000x128xf32>
    %mul3A = arith.mulf %add3A_15, %get3A_1 : vector<1000x128xf32>
    %get3A_16 = arith.constant 0 : index
    %get3A_17 = arith.constant 0 : index
    %get3A_18 = vector.load %arg4[%get3A_16, %get3A_17] : memref<1x128xf32, #tpu.memory_space<vmem>>, vector<1x128xf32>
    %add3A_19 = vector.broadcast %get3A_18 : vector<1x128xf32> to vector<1000x128xf32>
    %add3A_20 = arith.addf %mul3A, %add3A_19 : vector<1000x128xf32>
    %max3A = arith.constant 0.000000e+00 : f32
    %max3A_21 = vector.broadcast %max3A : f32 to vector<1000x128xf32>
    %max3A_22 = arith.maximumf %add3A_20, %max3A_21 : vector<1000x128xf32>
    %get3A_23 = arith.constant 0 : index
    %get3A_24 = arith.constant 0 : index
    %get3A_25 = vector.load %arg5[%get3A_23, %get3A_24] : memref<128x128xf32, #tpu.memory_space<vmem>>, vector<128x128xf32>
    %dot_general3A = arith.constant dense<0.000000e+00> : vector<1000x128xf32>
    %dot_general3A_26 = tpu.matmul %max3A_22, %get3A_25, %dot_general3A {dimension_numbers = #tpu.dot_dimension_numbers<[1], [0], [0], [1], [0, 0, 1, 1], [], []>, precision = #tpu.contract_precision<fp32>, transpose_lhs_hint = false} : vector<1000x128xf32>, vector<128x128xf32>, vector<1000x128xf32> -> vector<1000x128xf32>
    %mul3A_27 = arith.mulf %dot_general3A_26, %get3A_1 : vector<1000x128xf32>
    %swap3A = arith.constant 0 : index
    %swap3A_28 = arith.constant 0 : index
    %swap3A_29 = vector.load %arg6[%swap3A, %swap3A_28] : memref<1000x128xf32, #tpu.memory_space<vmem>>, vector<1000x128xf32>
    tpu.vector_store %arg6[%swap3A, %swap3A_28], %mul3A_27 {strides = array<i32>} : memref<1000x128xf32, #tpu.memory_space<vmem>>, vector<1000x128xf32>,
    return
  }
  func.func @transform_0(%arg0: i32) -> (i32, i32, i32) {
    %c0_i32 = arith.constant 0 : i32
    %c0_i32_0 = arith.constant 0 : i32
    %c0_i32_1 = arith.constant 0 : i32
    return %c0_i32, %arg0, %c0_i32_0 : i32, i32, i32
  }
  func.func @transform_1(%arg0: i32) -> (i32, i32) {
    %c0_i32 = arith.constant 0 : i32
    %c0_i32_0 = arith.constant 0 : i32
    return %arg0, %c0_i32 : i32, i32
  }
  func.func @transform_2(%arg0: i32) -> (i32, i32) {
    %c0_i32 = arith.constant 0 : i32
    %c0_i32_0 = arith.constant 0 : i32
    return %arg0, %c0_i32 : i32, i32
  }
  func.func @transform_3(%arg0: i32) -> (i32, i32) {
    %c0_i32 = arith.constant 0 : i32
    %c0_i32_0 = arith.constant 0 : i32
    %c0_i32_1 = arith.constant 0 : i32
    return %c0_i32, %c0_i32_0 : i32, i32
  }
  func.func @transform_4(%arg0: i32) -> (i32, i32) {
    %c0_i32 = arith.constant 0 : i32
    %c0_i32_0 = arith.constant 0 : i32
    %c0_i32_1 = arith.constant 0 : i32
    return %c0_i32, %c0_i32_0 : i32, i32
  }
  func.func @transform_5(%arg0: i32) -> (i32, i32) {
    %c0_i32 = arith.constant 0 : i32
    %c0_i32_0 = arith.constant 0 : i32
    return %arg0, %c0_i32 : i32, i32
  }
}

module attributes {stable_mosaic.version = 14 : i64} {
  func.func @body(%arg0: i32, %arg1: memref<1024x128xf32, #tpu.memory_space<vmem>>, %arg2: memref<1024x128xf32, #tpu.memory_space<vmem>>, %arg3: memref<128x128xf32, #tpu.memory_space<vmem>>, %arg4: memref<1x128xf32, #tpu.memory_space<vmem>>, %arg5: memref<128x128xf32, #tpu.memory_space<vmem>>, %arg6: memref<1x128xf32, #tpu.memory_space<vmem>>, %arg7: memref<128x2xf32, #tpu.memory_space<vmem>>, %arg8: memref<1x2xf32, #tpu.memory_space<vmem>>, %arg9: memref<1024x2xf32, #tpu.memory_space<vmem>>) attributes {dimension_semantics = [#tpu.dimension_semantics<arbitrary>], iteration_bounds = array<i64: 100>, scalar_prefetch = 0 : i64, scratch_operands = 0 : i64, tpu.core_type = #tpu.core_type<tc>, window_params = [{transform_indices = @transform_0, window_bounds = array<i64: 1024, 128>}, {transform_indices = @transform_1, window_bounds = array<i64: 1024, 128>}, {pipeline_mode = #tpu.pipeline_mode<synchronous>, transform_indices = @transform_2, window_bounds = array<i64: 128, 128>}, {pipeline_mode = #tpu.pipeline_mode<synchronous>, transform_indices = @transform_3, window_bounds = array<i64: 1, 128>}, {pipeline_mode = #tpu.pipeline_mode<synchronous>, transform_indices = @transform_4, window_bounds = array<i64: 128, 128>}, {pipeline_mode = #tpu.pipeline_mode<synchronous>, transform_indices = @transform_5, window_bounds = array<i64: 1, 128>}, {pipeline_mode = #tpu.pipeline_mode<synchronous>, transform_indices = @transform_6, window_bounds = array<i64: 128, 2>}, {pipeline_mode = #tpu.pipeline_mode<synchronous>, transform_indices = @transform_7, window_bounds = array<i64: 1, 2>}, {transform_indices = @transform_8, window_bounds = array<i64: 1024, 2>}]} {
    %get3A = arith.constant 0 : index
    %get3A_0 = arith.constant 0 : index
    %get3A_1 = vector.load %arg1[%get3A, %get3A_0] : memref<1024x128xf32, #tpu.memory_space<vmem>>, vector<1024x128xf32>
    %get3A_2 = arith.constant 0 : index
    %get3A_3 = arith.constant 0 : index
    %get3A_4 = vector.load %arg2[%get3A_2, %get3A_3] : memref<1024x128xf32, #tpu.memory_space<vmem>>, vector<1024x128xf32>
    %mul3A = arith.mulf %get3A_1, %get3A_4 : vector<1024x128xf32>
    %get3A_5 = arith.constant 0 : index
    %get3A_6 = arith.constant 0 : index
    %get3A_7 = vector.load %arg3[%get3A_5, %get3A_6] : memref<128x128xf32, #tpu.memory_space<vmem>>, vector<128x128xf32>
    %dot_general3A = arith.constant dense<0.000000e+00> : vector<1024x128xf32>
    %dot_general3A_8 = tpu.matmul %mul3A, %get3A_7, %dot_general3A {dimension_numbers = #tpu.dot_dimension_numbers<[1], [0], [0], [1], [0, 0, 1, 1], [], []>, precision = #tpu.contract_precision<fp32>, transpose_lhs_hint = false} : vector<1024x128xf32>, vector<128x128xf32>, vector<1024x128xf32> -> vector<1024x128xf32>
    %get3A_9 = arith.constant 0 : index
    %get3A_10 = arith.constant 0 : index
    %get3A_11 = vector.load %arg4[%get3A_9, %get3A_10] : memref<1x128xf32, #tpu.memory_space<vmem>>, vector<1x128xf32>
    %add3A = vector.broadcast %get3A_11 : vector<1x128xf32> to vector<1024x128xf32>
    %add3A_12 = arith.addf %dot_general3A_8, %add3A : vector<1024x128xf32>
    %max3A = arith.constant 0.000000e+00 : f32
    %max3A_13 = vector.broadcast %max3A : f32 to vector<1024x128xf32>
    %max3A_14 = arith.maximumf %add3A_12, %max3A_13 : vector<1024x128xf32>
    %get3A_15 = arith.constant 0 : index
    %get3A_16 = arith.constant 0 : index
    %get3A_17 = vector.load %arg5[%get3A_15, %get3A_16] : memref<128x128xf32, #tpu.memory_space<vmem>>, vector<128x128xf32>
    %dot_general3A_18 = arith.constant dense<0.000000e+00> : vector<1024x128xf32>
    %dot_general3A_19 = tpu.matmul %max3A_14, %get3A_17, %dot_general3A_18 {dimension_numbers = #tpu.dot_dimension_numbers<[1], [0], [0], [1], [0, 0, 1, 1], [], []>, precision = #tpu.contract_precision<fp32>, transpose_lhs_hint = false} : vector<1024x128xf32>, vector<128x128xf32>, vector<1024x128xf32> -> vector<1024x128xf32>
    %get3A_20 = arith.constant 0 : index
    %get3A_21 = arith.constant 0 : index
    %get3A_22 = vector.load %arg6[%get3A_20, %get3A_21] : memref<1x128xf32, #tpu.memory_space<vmem>>, vector<1x128xf32>
    %add3A_23 = vector.broadcast %get3A_22 : vector<1x128xf32> to vector<1024x128xf32>
    %add3A_24 = arith.addf %dot_general3A_19, %add3A_23 : vector<1024x128xf32>
    %max3A_25 = arith.constant 0.000000e+00 : f32
    %max3A_26 = vector.broadcast %max3A_25 : f32 to vector<1024x128xf32>
    %max3A_27 = arith.maximumf %add3A_24, %max3A_26 : vector<1024x128xf32>
    %get3A_28 = arith.constant 0 : index
    %get3A_29 = arith.constant 0 : index
    %get3A_30 = vector.load %arg7[%get3A_28, %get3A_29] : memref<128x2xf32, #tpu.memory_space<vmem>>, vector<128x2xf32>
    %dot_general3A_31 = arith.constant dense<0.000000e+00> : vector<1024x2xf32>
    %dot_general3A_32 = tpu.matmul %max3A_27, %get3A_30, %dot_general3A_31 {dimension_numbers = #tpu.dot_dimension_numbers<[1], [0], [0], [1], [0, 0, 1, 1], [], []>, precision = #tpu.contract_precision<fp32>, transpose_lhs_hint = false} : vector<1024x128xf32>, vector<128x2xf32>, vector<1024x2xf32> -> vector<1024x2xf32>
    %get3A_33 = arith.constant 0 : index
    %get3A_34 = arith.constant 0 : index
    %get3A_35 = vector.load %arg8[%get3A_33, %get3A_34] : memref<1x2xf32, #tpu.memory_space<vmem>>, vector<1x2xf32>
    %add3A_36 = vector.broadcast %get3A_35 : vector<1x2xf32> to vector<1024x2xf32>
    %add3A_37 = arith.addf %dot_general3A_32, %add3A_36 : vector<1024x2xf32>
    %swap3A = arith.constant 0 : index
    %swap3A_38 = arith.constant 0 : index
    %swap3A_39 = vector.load %arg9[%swap3A, %swap3A_38] : memref<1024x2xf32, #tpu.memory_space<vmem>>, vector<1024x2xf32>
    tpu.vector_store %arg9[%swap3A, %swap3A_38], %add3A_37 {strides = array<i32>} : memref<1024x2xf32, #tpu.memory_space<vmem>>, vector<1024x2xf32>,
    return
  }
  func.func @transform_0(%arg0: i32) -> (i32, i32) {
    %c0_i32 = arith.constant 0 : i32
    %c0_i32_0 = arith.constant 0 : i32
    return %arg0, %c0_i32 : i32, i32
  }
  func.func @transform_1(%arg0: i32) -> (i32, i32) {
    %add3A = arith.constant 100 : i32
    %add3A_0 = arith.addi %arg0, %add3A : i32
    %c0_i32 = arith.constant 0 : i32
    %c0_i32_1 = arith.constant 0 : i32
    return %add3A_0, %c0_i32 : i32, i32
  }
  func.func @transform_2(%arg0: i32) -> (i32, i32) {
    %c0_i32 = arith.constant 0 : i32
    %c0_i32_0 = arith.constant 0 : i32
    %c0_i32_1 = arith.constant 0 : i32
    return %c0_i32, %c0_i32_0 : i32, i32
  }
  func.func @transform_3(%arg0: i32) -> (i32, i32) {
    %c0_i32 = arith.constant 0 : i32
    %c0_i32_0 = arith.constant 0 : i32
    %c0_i32_1 = arith.constant 0 : i32
    return %c0_i32, %c0_i32_0 : i32, i32
  }
  func.func @transform_4(%arg0: i32) -> (i32, i32) {
    %c0_i32 = arith.constant 0 : i32
    %c0_i32_0 = arith.constant 0 : i32
    %c0_i32_1 = arith.constant 0 : i32
    return %c0_i32, %c0_i32_0 : i32, i32
  }
  func.func @transform_5(%arg0: i32) -> (i32, i32) {
    %c0_i32 = arith.constant 0 : i32
    %c0_i32_0 = arith.constant 0 : i32
    %c0_i32_1 = arith.constant 0 : i32
    return %c0_i32, %c0_i32_0 : i32, i32
  }
  func.func @transform_6(%arg0: i32) -> (i32, i32) {
    %c0_i32 = arith.constant 0 : i32
    %c0_i32_0 = arith.constant 0 : i32
    %c0_i32_1 = arith.constant 0 : i32
    return %c0_i32, %c0_i32_0 : i32, i32
  }
  func.func @transform_7(%arg0: i32) -> (i32, i32) {
    %c0_i32 = arith.constant 0 : i32
    %c0_i32_0 = arith.constant 0 : i32
    %c0_i32_1 = arith.constant 0 : i32
    return %c0_i32, %c0_i32_0 : i32, i32
  }
  func.func @transform_8(%arg0: i32) -> (i32, i32) {
    %c0_i32 = arith.constant 0 : i32
    %c0_i32_0 = arith.constant 0 : i32
    return %arg0, %c0_i32 : i32, i32
  }
}

module attributes {stable_mosaic.version = 14 : i64} {
  func.func @body(%arg0: i32, %arg1: memref<2x1000x128xf32, #tpu.memory_space<vmem>>, %arg2: memref<1000x128xf32, #tpu.memory_space<vmem>>, %arg3: memref<1000x128xf32, #tpu.memory_space<vmem>>, %arg4: memref<1x128xf32, #tpu.memory_space<vmem>>, %arg5: memref<1000x128xf32, #tpu.memory_space<vmem>>) attributes {dimension_semantics = [#tpu.dimension_semantics<arbitrary>], iteration_bounds = array<i64: 10>, scalar_prefetch = 0 : i64, scratch_operands = 0 : i64, tpu.core_type = #tpu.core_type<tc>, window_params = [{transform_indices = @transform_0, window_bounds = array<i64: 2, 1000, 128>}, {transform_indices = @transform_1, window_bounds = array<i64: 1000, 128>}, {transform_indices = @transform_2, window_bounds = array<i64: 1000, 128>}, {pipeline_mode = #tpu.pipeline_mode<synchronous>, transform_indices = @transform_3, window_bounds = array<i64: 1, 128>}, {transform_indices = @transform_4, window_bounds = array<i64: 1000, 128>}]} {
    %get3A = arith.constant 0 : index
    %get3A_0 = arith.constant 0 : index
    %get3A_1 = arith.constant 0 : index
    %get3A_2 = vector.load %arg1[%get3A, %get3A_0, %get3A_1] : memref<2x1000x128xf32, #tpu.memory_space<vmem>>, vector<1x1000x128xf32>
    %get3A_3 = vector.shape_cast %get3A_2 : vector<1x1000x128xf32> to vector<1000x128xf32>
    %get3A_4 = arith.constant 1 : index
    %get3A_5 = arith.constant 0 : index
    %get3A_6 = arith.constant 0 : index
    %get3A_7 = vector.load %arg1[%get3A_4, %get3A_5, %get3A_6] : memref<2x1000x128xf32, #tpu.memory_space<vmem>>, vector<1x1000x128xf32>
    %get3A_8 = vector.shape_cast %get3A_7 : vector<1x1000x128xf32> to vector<1000x128xf32>
    %add3A = arith.addf %get3A_3, %get3A_8 : vector<1000x128xf32>
    %get3A_9 = arith.constant 0 : index
    %get3A_10 = arith.constant 0 : index
    %get3A_11 = vector.load %arg2[%get3A_9, %get3A_10] : memref<1000x128xf32, #tpu.memory_space<vmem>>, vector<1000x128xf32>
    %add3A_12 = arith.addf %add3A, %get3A_11 : vector<1000x128xf32>
    %get3A_13 = arith.constant 0 : index
    %get3A_14 = arith.constant 0 : index
    %get3A_15 = vector.load %arg3[%get3A_13, %get3A_14] : memref<1000x128xf32, #tpu.memory_space<vmem>>, vector<1000x128xf32>
    %mul3A = arith.mulf %add3A_12, %get3A_15 : vector<1000x128xf32>
    %get3A_16 = arith.constant 0 : index
    %get3A_17 = arith.constant 0 : index
    %get3A_18 = vector.load %arg4[%get3A_16, %get3A_17] : memref<1x128xf32, #tpu.memory_space<vmem>>, vector<1x128xf32>
    %add3A_19 = vector.broadcast %get3A_18 : vector<1x128xf32> to vector<1000x128xf32>
    %add3A_20 = arith.addf %mul3A, %add3A_19 : vector<1000x128xf32>
    %swap3A = arith.constant 0 : index
    %swap3A_21 = arith.constant 0 : index
    %swap3A_22 = vector.load %arg5[%swap3A, %swap3A_21] : memref<1000x128xf32, #tpu.memory_space<vmem>>, vector<1000x128xf32>
    tpu.vector_store %arg5[%swap3A, %swap3A_21], %add3A_20 {strides = array<i32>} : memref<1000x128xf32, #tpu.memory_space<vmem>>, vector<1000x128xf32>,
    return
  }
  func.func @transform_0(%arg0: i32) -> (i32, i32, i32) {
    %c0_i32 = arith.constant 0 : i32
    %c0_i32_0 = arith.constant 0 : i32
    %c0_i32_1 = arith.constant 0 : i32
    return %c0_i32, %arg0, %c0_i32_0 : i32, i32, i32
  }
  func.func @transform_1(%arg0: i32) -> (i32, i32) {
    %c0_i32 = arith.constant 0 : i32
    %c0_i32_0 = arith.constant 0 : i32
    return %arg0, %c0_i32 : i32, i32
  }
  func.func @transform_2(%arg0: i32) -> (i32, i32) {
    %c0_i32 = arith.constant 0 : i32
    %c0_i32_0 = arith.constant 0 : i32
    return %arg0, %c0_i32 : i32, i32
  }
  func.func @transform_3(%arg0: i32) -> (i32, i32) {
    %c0_i32 = arith.constant 0 : i32
    %c0_i32_0 = arith.constant 0 : i32
    %c0_i32_1 = arith.constant 0 : i32
    return %c0_i32, %c0_i32_0 : i32, i32
  }
  func.func @transform_4(%arg0: i32) -> (i32, i32) {
    %c0_i32 = arith.constant 0 : i32
    %c0_i32_0 = arith.constant 0 : i32
    return %arg0, %c0_i32 : i32, i32
  }
}

</mosaic_0001>

<sc_bundles>
// kernel: kernel.12.cloned.1.call-start
scs
__scs_entry_jumppad:
0x0: {  	(pc) =	sbr.rel $0x88, $3  }
0x1: {  	(tag) =	ssettag $0x0;
	lr =	simm.s32 $0x1  }
0x2: {  	[smem:$0x3F92] =	sst lr;
	_ =	strace $0xD0000000  }
0x3: {  	_ = 	snop  }
0x4: {  	_ = 	snop  }
0x5: {  	_ = 	snop  }
0x6: {  	_ = 	snop  }
0x7: {  	_ = 	snop  }
__scs_overlays_trampoline_lowered:
0x8: {  	[smem:$0x3FA1] =	sst s0  }
0x9: {  	[smem:$0x3FA2] =	sst s1  }
0xa: {  	[smem:$0x3FA3] =	sst s2  }
0xb: {  	[smem:$0x3FA4] =	sst s3  }
0xc: {  	[smem:$0x3FA5] =	sst s4  }
0xd: {  	[smem:$0x3FA6] =	sst s5  }
0xe: {  	[smem:$0x3FA7] =	sst s6  }
0xf: {  	[smem:$0x3FA8] =	sst s7  }
0x10: {  	[smem:$0x3FA9] =	sst s8  }
0x11: {  	[smem:$0x3FAA] =	sst s9;
	s0 =	simm.s32 @!p0 $0x0  }
0x12: {  	s1 =	sld [smem:$0x3F90];
	s0 =	simm.s32 @p0 $0x1  }
0x13: {  	[smem:$0x3FAB] =	sst s0;
	s0 =	simm.s32 @!p1 $0x0  }
0x14: {  	s2 =	sld [smem:$0x3F8F];
	s0 =	simm.s32 @p1 $0x1  }
0x15: {  	[smem:$0x3FAC] =	sst s0;
	s0 =	simm.s32 @!p2 $0x0  }
0x16: {  	s3 =	sld [smem:$0x3FDB];
	s0 =	simm.s32 @p2 $0x1  }
0x17: {  	s4 =	simm.s32 $0x1BF5;
	[smem:$0x3FAE] =	sst s0  }
0x18: {  	s0 =	sld [smem:$0x3F91];
	_ =	swait.ge [sflag:s4], $0x0  }
0x19: {  	s7 =	sld [smem:$0x3F92]  }
0x1a: {  	s8 =	sadd.s32 $0xFFFFE003, lr  }
0x1b: {  	s9 =	sadd.s32 $0xFFFFFEF7, lr;
	s5 =	simm.s32 $0xFFFFFFFF;
	p2 =	slt.u32 s8, $0xFFFFF086  }
0x1c: {  	p1 =	slt.u32 s9, $0xF7A;
	s5 =	simm.s32 @!p2 $0x0  }
0x1d: {  	s5 =	simm.s32 @p1 $0x1;
	p0 =	seq.s32 s7, s2  }
0x1e: {  	s7 =	smul.u32 @!p0 $0xF7A, s2;
	p2 =	seq.s32 @!p0 s5, $0x0  }
0x1f: {  	s9 =	smul.u32 $0xF7A, s1;
	s8 =	simm.s32 @!p0 $0x1BF5;
	p2 =	por !p2, p0  }
0x20: {  	[sflag:s8] =	ssyncset.s32 @!p0 $0xFFFFF086;
	s6 =	sadd.s32 @!p0 s3, s7;
	s7 =	simm.s32 @!p0 $0x108  }
0x21: {  	s3 =	sadd.s32 s3, s9;
	s6 =	sadd.s32 @!p0 $0x88, s6;
	s7 =	simm.s32 @p2 $0x1082  }
0x22: {  	[simem:s7], [sflag:s8] =	dma.local @!p0 [hbm:s6], $0xF7A  }
0x23: {  	s9 =	sor.u32 $0xD0000000, s2;
	s6 =	simm.s32 $0x108;
	_ =	swait.ge @!p0 [sflag:s8], $0x0  }
0x24: {  	s3 =	sadd.s32 $0x88, s3;
	s6 =	simm.s32 @!p1 $0x1082;
	[sflag:s4] =	ssyncset.s32 $0xFFFFF086  }
0x25: {  	[simem:s6], [sflag:s4] =	dma.local [hbm:s3], $0xF7A  }
0x26: {  	[smem:$0x3F92] =	sst s1;
	(tag) =	ssettag s2;
	_ =	strace s9  }
0x27: {  	s1 =	sld [smem:$0x3FA2]  }
0x28: {  	s2 =	sld [smem:$0x3FA3]  }
0x29: {  	s4 =	sld [smem:$0x3FA5]  }
0x2a: {  	p0 =	seq.s32 s5, $0x0;
	s5 =	sld [smem:$0x3FA6]  }
0x2b: {  	s6 =	sld [smem:$0x3FA7]  }
0x2c: {  	s7 =	sld [smem:$0x3FA8]  }
0x2d: {  	s3 =	simm.s32 $0x108;
	s8 =	sld [smem:$0x3FA9]  }
0x2e: {  	s3 =	simm.s32 @!p0 $0x1082;
	s9 =	sld [smem:$0x3FAA]  }
0x2f: {  	lr =	sadd.s32 s0, s3;
	s0 =	sld [smem:$0x3FA1]  }
0x30: {  	s3 =	sld [smem:$0x3FA4]  }
0x31: {  	[smem:$0x3FAD] =	sst s10  }
0x32: {  	s10 =	sld [smem:$0x3FAB];
	_ =	sdelay $0x3  }
0x33: {  	p0 =	seq.s32 s10, $0x1;
	s10 =	sld [smem:$0x3FAD];
	_ =	sdelay $0x3  }
0x34: {  	[smem:$0x3FAD] =	sst s10  }
0x35: {  	s10 =	sld [smem:$0x3FAC];
	_ =	sdelay $0x3  }
0x36: {  	p1 =	seq.s32 s10, $0x1;
	s10 =	sld [smem:$0x3FAD];
	_ =	sdelay $0x3  }
0x37: {  	[smem:$0x3FAD] =	sst s10  }
0x38: {  	s10 =	sld [smem:$0x3FAE]  }
0x39: {  	_ = 	snop;
	(pc) =	sbr.ind lr, $3  }
0x3a: {  	_ = 	snop  }
0x3b: {  	_ = 	snop  }
0x3c: {  	p2 =	seq.s32 s10, $0x1;
	s10 =	sld [smem:$0x3FAD]  }
0x3d: {  	_ =	shalt  }
0x3e: {  	_ =	shalt  }
0x3f: {  	_ =	shalt  }
0x40: {  	_ =	shalt  }
0x41: {  	_ =	shalt  }
0x42: {  	_ =	shalt  }
0x43: {  	_ =	shalt  }
0x44: {  	_ =	shalt  }
0x45: {  	_ =	shalt  }
0x46: {  	_ =	shalt  }
0x47: {  	_ =	shalt  }
0x48: {  	_ =	shalt  }
0x49: {  	_ =	shalt  }
0x4a: {  	_ =	shalt  }
0x4b: {  	_ =	shalt  }
0x4c: {  	_ =	shalt  }
0x4d: {  	_ =	shalt  }
0x4e: {  	_ =	shalt  }
0x4f: {  	_ =	shalt  }
0x50: {  	_ =	shalt  }
0x51: {  	_ =	shalt  }
0x52: {  	_ =	shalt  }
0x53: {  	_ =	shalt  }
0x54: {  	_ =	shalt  }
0x55: {  	_ =	shalt  }
0x56: {  	_ =	shalt  }
0x57: {  	_ =	shalt  }
0x58: {  	_ =	shalt  }
0x59: {  	_ =	shalt  }
0x5a: {  	_ =	shalt  }
0x5b: {  	_ =	shalt  }
0x5c: {  	_ =	shalt  }
0x5d: {  	_ =	shalt  }
0x5e: {  	_ =	shalt  }
0x5f: {  	_ =	shalt  }
0x60: {  	_ =	shalt  }
0x61: {  	_ =	shalt  }
0x62: {  	_ =	shalt  }
0x63: {  	_ =	shalt  }
0x64: {  	_ =	shalt  }
0x65: {  	_ =	shalt  }
0x66: {  	_ =	shalt  }
0x67: {  	_ =	shalt  }
0x68: {  	_ =	shalt  }
0x69: {  	_ =	shalt  }
0x6a: {  	_ =	shalt  }
0x6b: {  	_ =	shalt  }
0x6c: {  	_ =	shalt  }
0x6d: {  	_ =	shalt  }
0x6e: {  	_ =	shalt  }
0x6f: {  	_ =	shalt  }
0x70: {  	_ =	shalt  }
0x71: {  	_ =	shalt  }
0x72: {  	_ =	shalt  }
0x73: {  	_ =	shalt  }
0x74: {  	_ =	shalt  }
0x75: {  	_ =	shalt  }
0x76: {  	_ =	shalt  }
0x77: {  	_ =	shalt  }
0x78: {  	_ =	shalt  }
0x79: {  	_ =	shalt  }
0x7a: {  	_ =	shalt  }
0x7b: {  	_ =	shalt  }
0x7c: {  	_ =	shalt  }
0x7d: {  	_ =	shalt  }
0x7e: {  	_ =	shalt  }
0x7f: {  	_ =	shalt  }
0x80: {  	_ =	shalt  }
0x81: {  	_ =	shalt  }
0x82: {  	_ =	shalt  }
0x83: {  	_ =	shalt  }
0x84: {  	_ =	shalt  }
0x85: {  	_ =	shalt  }
0x86: {  	_ =	shalt  }
0x87: {  	_ =	shalt  }
.Lfunc_end0:
.L_simem_size_0:
called_computation_lowered:
.L_overlay_start_0:
0x88: {  	s2 =	sld [smem:$0x3FD9]  }
0x89: {  	s3 =	sld [smem:$0x3FFE];
	_ =	sdelay $0x1  }
0x8a: {  	s1 =	srdreg.scid  }
0x8b: {  	s0 =	sand.u32 $0x1, s1  }
0x8c: {  	s17 =	sshll.u32 s0, $0xA;
	s2 =	sadd.s32 s3, s2  }
0x8d: {  	s2 =	sadd.s32 s2, s17  }
0x8e: {  	[smem:$0x3FB9] =	sst s2  }
0x8f: {  	_ = 	snop  }
0x90: {  	s2 =	sld [smem:$0x3FD0];
	(tm) =	ssettm $0x1  }
0x91: {  	s18 =	sld [smem:$0x3FFB];
	_ =	sdelay $0x3  }
0x92: {  	_ =	strace s18  }
0x93: {  	s3 =	sld [smem:$0x3FFC];
	_ =	sdelay $0x3  }
0x94: {  	_ =	strace s3  }
0x95: {  	s3 =	sld [smem:$0x3FFD];
	_ =	sdelay $0x3  }
0x96: {  	_ =	strace s3  }
0x97: {  	_ =	strace $0x8FFFFFFF  }
0x98: {  	s19 =	sld [smem:$0x3FDB];
	_ =	sdelay $0x1  }
0x99: {  	s4 =	simm.s32 $_scs_section_size  }
0x9a: {  	s5 =	simm.s32 $_size__tile_overlayer_lowered;
	s6 =	simm.s32 $_tile_overlayer_lowered  }
0x9b: {  	s22 =	simm.s32 $0x1BFF;
	s21 =	sshll.u32 s6, $0x1;
	s3 =	sadd.s32 s4, s19  }
0x9c: {  	s7 =	simm.s32 $0x0;
	s20 =	sshll.u32 s5, $0x1;
	s5 =	sadd.s32 s21, s3  }
0x9d: {  	[timem:s7], [sflag:s22] =	dma.local [hbm:s5], s20  }
0x9e: {  	_ =	swait.ge [sflag:s22], s20  }
0x9f: {  	s4 =	ssub.s32 $0x0, s20;
	[sflag:s22] =	ssyncset.done $0x0  }
0xa0: {  	[sflag:s22] =	ssyncadd.s32 s4;
	_ =	sdelay $0x1  }
0xa1: {  	s23 =	simm.s32 $0x1B8B  }
0xa2: {  	_ =	swait.ge [sflag:s23], $0x1  }
0xa3: {  	[sflag:s23] =	ssyncset.done $0x0  }
0xa4: {  	s25 =	simm.s32 $0x1B8E;
	s24 =	sld [smem:$0x3FFE];
	[sflag:s23] =	ssyncadd.s32 $0xFFFFFFFF  }
0xa5: {  	s26 =	simm.s32 $execute0_lowered;
	[smem:$0x3FD2] =	sst s25  }
0xa6: {  	s5 =	sshll.u32 s26, $0x1;
	_ =	strace $0x80000046;
	[dreg:$0x1] =	wrdreg $0xFFFFFFFF  }
0xa7: {  	s28 =	simm.s32 $_size_execute0_lowered;
	s3 =	sadd.s32 s3, s5;
	[dreg:$0x0] =	wrdreg $0x0  }
0xa8: {  	s5 =	sshll.u32 s28, $0x1;
	[dreg:$0x2] =	wrdreg s3  }
0xa9: {  	[dreg:$0x3] =	wrdreg s5  }
0xaa: {  	[dreg:$0x4] =	wrdreg $0xC0  }
0xab: {  	_ =	task [dreg:s7], $0x5FFFF  }
0xac: {  	[dreg:$0x1] =	wrdreg $0xFFFFFFFF  }
0xad: {  	[dreg:$0x0] =	wrdreg $0x60  }
0xae: {  	[dreg:$0x2] =	wrdreg s24  }
0xaf: {  	[dreg:$0x3] =	wrdreg s2  }
0xb0: {  	[dreg:$0x4] =	wrdreg $0x68000  }
0xb1: {  	[dreg:$0x5] =	wrdreg $0x9  }
0xb2: {  	_ =	task.clear_ibuf [dreg:s7], $0x6FFFF;
	_ =	strace $0x90000046  }
0xb3: {  	s29 =	simm.s32 $0x9;
	_ =	strace $0x80000048  }
0xb4: {  	_ =	swait.ge [sflag:s29], $0x1  }
0xb5: {  	[sflag:s29] =	ssyncadd.s32 $0xFFFFFFFF  }
0xb6: {  	_ =	strace $0x90000048  }
0xb7: {  	_ =	sfence  }
0xb8: {  	s30 =	sld [smem:$0x0];
	_ =	sdelay $0x2  }
0xb9: {  	s31 =	sshll.u32 s1, $0xD;
	s1 =	sshrl.u32 s1, $0x2  }
0xba: {  	s3 =	sand.u32 $0x4000, s31;
	s1 =	sadd.s32 s1, s30  }
0xbb: {  	s0 =	sor.u32 s3, s0;
	s1 =	sshll.u32 s1, $0x11  }
0xbc: {  	s0 =	sor.u32 s1, s0  }
0xbd: {  	s0 =	sadd.s32 $0x8F2B, s0  }
0xbe: {  	[sflag:s0] =	ssyncadd.remote.s32 $0x1  }
0xbf: {  	_ =	sfence.sel $0xFFFF  }
0xc0: {  	[dreg:$0x0] =	wrdreg $0xFFFFFFFF;
	(pc) =	sbr.abs _section_cstart, $3  }
0xc1: {  	[dreg:$0x1] =	wrdreg $0xFFFFFFFF  }
0xc2: {  	_ =	task.clear_ibuf [dreg:s7], $0x2FFFF;
	_ =	strace $0x9FFFFFFF  }
0xc3: {  	(tm) =	ssettm $0x7FFFFFFF  }
tec
execute0_lowered:
.L_overlay_start_1:
0x0: {  	(tag) =	ssettag $0x1  }
0x1: {  	s5 =	rddreg [dreg:$0x0]  }
0x2: {  	s0 =	srdreg.scid;
	s2 =	rddreg [dreg:$0x1]  }
0x3: {  	s3 =	rddreg [dreg:$0x2];
	s6 =	sand.u32 $0x1, s0  }
0x4: {  	s0 =	stileid.u32;
	s7 =	smul.u32 $0x28000, s6  }
0x5: {  	s1 =	rddreg [dreg:$0x3];
	s8 =	smul.u32 $0x2800, s0  }
0x6: {  	s4 =	simm.s32 $0x0;
	s13 =	simm.s32 $0x80;
	s28 =	smul.u32 $0x13C00, s0  }
0x7: {  	s14 =	simm.s32 $0x0;
	[smem:$0x7FF] =	sst s4;
	s9 =	smul.u32 $0x13C000, s6  }
0x8: {  	_ =	strace $0x80000047;
	s6 =	ssub.s32 $0x2, s6;
	s29 =	smul.u32 $0x4F000, s0  }
0x9: {  	s31 =	sshll.u32 s0, $0x6;
	s11 =	sshrl.u32 s6, $0x1;
	s7 =	sadd.s32 s8, s7  }
0xa: {  	s10 =	sshrl.u32 s28, $0x3;
	s8 =	sadd.s32 s28, s9;
	s11 =	ssub.s32 s6, s11  }
0xb: {  	s30 =	sshrl.u32 s29, $0x2;
	s9 =	simm.s32 $0x1;
	s7 =	sshrl.u32 s7, $0x3  }
0xc: {  	s10 =	sadd.s32 s10, s5;
	s8 =	sshrl.u32 s8, $0x3;
	s12 =	sadd.s32 s30, s3  }
0xd: {  	s7 =	sadd.s32 s7, s5;
	s8 =	sadd.s32 s8, s5;
	s6 =	sadd.s32 $0xD400, s10  }
0xe: {  	s10 =	simm.s32 $0x2800;
	s12 =	sshrl.u32 s12, $0x3;
	s5 =	sadd.s32 $0x3400, s7  }
0xf: {  	s7 =	sadd.s32 $0x34C00, s8;
	s8 =	smax.u32 s11, $0x1;
	s11 =	sor.u32 $0x1C01, s31  }
.LBB2_1:
0x10: {  	[tilespmem:s4], [sflag:$0x1] =	stream.linear.gather [hbm4b:s5+s4], $0x2780, $0x38;
	[tilespmem:$0x1A400] =	vst v63  }
0x11: {  	_ =	swait.ge [sflag:s9], $0x2780  }
0x12: {  	[sflag:s9] =	ssyncset.done $0x0  }
0x13: {  	[sflag:s9] =	ssyncadd.s32 $0xFFFFD880  }
0x14: {  	[tilespmem:s10], [sflag:$0x1] =	stream.linear.gather [hbm4b:s2+s4], $0x4000, $0x38;
	[tilespmem:$0x1A400] =	vst v63  }
0x15: {  	_ =	swait.ge [sflag:s9], $0x4000  }
0x16: {  	[sflag:s9] =	ssyncset.done $0x0  }
0x17: {  	[sflag:s9] =	ssyncadd.s32 $0xFFFFC000  }
0x18: {  	[spmem:s12], [sflag:s11] =	dma.local [hbm:s6], $0x2780  }
0x19: {  	_ =	swait.ge [sflag:s9], $0x2780  }
0x1a: {  	[sflag:s9] =	ssyncset.done $0x0  }
0x1b: {  	[sflag:s9] =	ssyncadd.s32 $0xFFFFD880  }
0x1c: {  	s15 =	simm.s32 $0x0;
	[bflag:$0x0] =	sbarrier.arrive $0xFFFF  }
0x1d: {  	[spmem:s3] =	stream.indirect.scatter.add.f32 [tilespmem:s10], [sflag:$0x1], $0x80, s15, s13, $0xb8;
	[tilespmem:$0x1A400] =	vst v63  }
0x1e: {  	_ =	swait.ge [sflag:s9], $0x4000  }
0x1f: {  	s15 =	simm.s32 $0x200;
	[sflag:s9] =	ssyncset.done $0x0  }
.LBB2_2:
0x20: {  	s16 =	sshra.s32 s15, $0x2;
	[sflag:s9] =	ssyncadd.s32 $0xFFFFC000;
	p0 =	sne.s32 s15, $0x9C00  }
0x21: {  	[spmem:s3] =	stream.indirect.scatter.add.f32 [tilespmem:s10], [sflag:$0x1], $0x80, s16, s13, $0xb8;
	[tilespmem:$0x1A400] =	vst v63  }
.Ltmp0:
0x22: {  	_ = 	snop;
	(pc) =	sbr.rel @p0 .LBB2_2-.Ltmp0, $4  }
0x23: {  	_ = 	snop  }
0x24: {  	s15 =	sadd.s32 $0x200, s15  }
0x25: {  	_ =	swait.ge [sflag:s9], $0x4000  }
0x26: {  	[sflag:s9] =	ssyncset.done $0x0  }
0x27: {  	s14 =	sadd.s32 $0x1, s14  }
0x28: {  	[sflag:s9] =	ssyncadd.s32 $0xFFFFC000;
	p0 =	sne.s32 s14, s8  }
.Ltmp1:
0x29: {  	[bflag:$0x0] =	sbarrier.arrive $0xFFFF;
	(pc) =	sbr.rel @p0 .LBB2_1-.Ltmp1, $4  }
0x2a: {  	[hbm:s7], [sflag:s11] =	dma.local [spmem:s12], $0x2780  }
0x2b: {  	_ =	swait.ge [sflag:s9], $0x2780  }
0x2c: {  	[sflag:s9] =	ssyncset.done $0x0  }
0x2d: {  	[sflag:s9] =	ssyncadd.s32 $0xFFFFD880  }
0x2e: {  	_ =	sfence.sel $0x180000  }
0x2f: {  	[bflag:$0x0] =	sbarrier.arrive $0xFFFF  }
0x30: {  	p0 =	sne.s32 s0, $0x0;
	_ =	strace $0x90000047  }
0x31: {  	s0 =	sadd.s32 @!p0 $0x100000, s1;
	[bflag:$0x2] =	sbarrier.arrive $0xFFFF  }
0x32: {  	[sflag:s0] =	ssyncadd.tile.s32 @!p0 $0x1;
	_ =	shalt  }
.Lfunc_end2:
_tile_overlayer_lowered:
.L_overlay_start_2:
0x33: {  	(tag) =	ssettag $0x2  }
0x34: {  	s0 =	rddreg [dreg:$0x0];
	s2 =	stileid.u32  }
0x35: {  	s1 =	rddreg [dreg:$0x1];
	p0 =	sne.s32 s2, $0x0  }
0x36: {  	s3 =	rddreg [dreg:$0x2];
	[bflag:$0x3] =	sbarrier.arrive $0xFFFF;
	s2 =	simm.s32 @!p0 $0x1C01  }
0x37: {  	[timem:s3], [sflag:s2] =	dma.local @!p0 [hbm:s0], s1  }
0x38: {  	s0 =	simm.s32 @!p0 $0x1  }
0x39: {  	_ =	swait.ge @!p0 [sflag:s0], s1  }
0x3a: {  	s1 =	ssub.s32 @!p0 $0x0, s1;
	[sflag:s0] =	ssyncset.done @!p0 $0x0  }
0x3b: {  	[sflag:s0] =	ssyncadd.s32 @!p0 s1  }
0x3c: {  	[bflag:$0x3] =	sbarrier.arrive $0xFFFF  }
0x3d: {  	_ =	shalt  }

// kernel: kernel.15.cloned.1.call-start
scs
__scs_entry_jumppad:
0x0: {  	(pc) =	sbr.rel $0x88, $3  }
0x1: {  	(tag) =	ssettag $0x0;
	lr =	simm.s32 $0x1  }
0x2: {  	[smem:$0x3F92] =	sst lr;
	_ =	strace $0xD0000000  }
0x3: {  	_ = 	snop  }
0x4: {  	_ = 	snop  }
0x5: {  	_ = 	snop  }
0x6: {  	_ = 	snop  }
0x7: {  	_ = 	snop  }
__scs_overlays_trampoline_lowered:
0x8: {  	[smem:$0x3FA1] =	sst s0  }
0x9: {  	[smem:$0x3FA2] =	sst s1  }
0xa: {  	[smem:$0x3FA3] =	sst s2  }
0xb: {  	[smem:$0x3FA4] =	sst s3  }
0xc: {  	[smem:$0x3FA5] =	sst s4  }
0xd: {  	[smem:$0x3FA6] =	sst s5  }
0xe: {  	[smem:$0x3FA7] =	sst s6  }
0xf: {  	[smem:$0x3FA8] =	sst s7  }
0x10: {  	[smem:$0x3FA9] =	sst s8  }
0x11: {  	[smem:$0x3FAA] =	sst s9;
	s0 =	simm.s32 @!p0 $0x0  }
0x12: {  	s1 =	sld [smem:$0x3F90];
	s0 =	simm.s32 @p0 $0x1  }
0x13: {  	[smem:$0x3FAB] =	sst s0;
	s0 =	simm.s32 @!p1 $0x0  }
0x14: {  	s2 =	sld [smem:$0x3F8F];
	s0 =	simm.s32 @p1 $0x1  }
0x15: {  	[smem:$0x3FAC] =	sst s0;
	s0 =	simm.s32 @!p2 $0x0  }
0x16: {  	s3 =	sld [smem:$0x3FDB];
	s0 =	simm.s32 @p2 $0x1  }
0x17: {  	s4 =	simm.s32 $0x1BF5;
	[smem:$0x3FAE] =	sst s0  }
0x18: {  	s0 =	sld [smem:$0x3F91];
	_ =	swait.ge [sflag:s4], $0x0  }
0x19: {  	s7 =	sld [smem:$0x3F92]  }
0x1a: {  	s8 =	sadd.s32 $0xFFFFE003, lr  }
0x1b: {  	s9 =	sadd.s32 $0xFFFFFEF7, lr;
	s5 =	simm.s32 $0xFFFFFFFF;
	p2 =	slt.u32 s8, $0xFFFFF086  }
0x1c: {  	p1 =	slt.u32 s9, $0xF7A;
	s5 =	simm.s32 @!p2 $0x0  }
0x1d: {  	s5 =	simm.s32 @p1 $0x1;
	p0 =	seq.s32 s7, s2  }
0x1e: {  	s7 =	smul.u32 @!p0 $0xF7A, s2;
	p2 =	seq.s32 @!p0 s5, $0x0  }
0x1f: {  	s9 =	smul.u32 $0xF7A, s1;
	s8 =	simm.s32 @!p0 $0x1BF5;
	p2 =	por !p2, p0  }
0x20: {  	[sflag:s8] =	ssyncset.s32 @!p0 $0xFFFFF086;
	s6 =	sadd.s32 @!p0 s3, s7;
	s7 =	simm.s32 @!p0 $0x108  }
0x21: {  	s3 =	sadd.s32 s3, s9;
	s6 =	sadd.s32 @!p0 $0x88, s6;
	s7 =	simm.s32 @p2 $0x1082  }
0x22: {  	[simem:s7], [sflag:s8] =	dma.local @!p0 [hbm:s6], $0xF7A  }
0x23: {  	s9 =	sor.u32 $0xD0000000, s2;
	s6 =	simm.s32 $0x108;
	_ =	swait.ge @!p0 [sflag:s8], $0x0  }
0x24: {  	s3 =	sadd.s32 $0x88, s3;
	s6 =	simm.s32 @!p1 $0x1082;
	[sflag:s4] =	ssyncset.s32 $0xFFFFF086  }
0x25: {  	[simem:s6], [sflag:s4] =	dma.local [hbm:s3], $0xF7A  }
0x26: {  	[smem:$0x3F92] =	sst s1;
	(tag) =	ssettag s2;
	_ =	strace s9  }
0x27: {  	s1 =	sld [smem:$0x3FA2]  }
0x28: {  	s2 =	sld [smem:$0x3FA3]  }
0x29: {  	s4 =	sld [smem:$0x3FA5]  }
0x2a: {  	p0 =	seq.s32 s5, $0x0;
	s5 =	sld [smem:$0x3FA6]  }
0x2b: {  	s6 =	sld [smem:$0x3FA7]  }
0x2c: {  	s7 =	sld [smem:$0x3FA8]  }
0x2d: {  	s3 =	simm.s32 $0x108;
	s8 =	sld [smem:$0x3FA9]  }
0x2e: {  	s3 =	simm.s32 @!p0 $0x1082;
	s9 =	sld [smem:$0x3FAA]  }
0x2f: {  	lr =	sadd.s32 s0, s3;
	s0 =	sld [smem:$0x3FA1]  }
0x30: {  	s3 =	sld [smem:$0x3FA4]  }
0x31: {  	[smem:$0x3FAD] =	sst s10  }
0x32: {  	s10 =	sld [smem:$0x3FAB];
	_ =	sdelay $0x3  }
0x33: {  	p0 =	seq.s32 s10, $0x1;
	s10 =	sld [smem:$0x3FAD];
	_ =	sdelay $0x3  }
0x34: {  	[smem:$0x3FAD] =	sst s10  }
0x35: {  	s10 =	sld [smem:$0x3FAC];
	_ =	sdelay $0x3  }
0x36: {  	p1 =	seq.s32 s10, $0x1;
	s10 =	sld [smem:$0x3FAD];
	_ =	sdelay $0x3  }
0x37: {  	[smem:$0x3FAD] =	sst s10  }
0x38: {  	s10 =	sld [smem:$0x3FAE]  }
0x39: {  	_ = 	snop;
	(pc) =	sbr.ind lr, $3  }
0x3a: {  	_ = 	snop  }
0x3b: {  	_ = 	snop  }
0x3c: {  	p2 =	seq.s32 s10, $0x1;
	s10 =	sld [smem:$0x3FAD]  }
0x3d: {  	_ =	shalt  }
0x3e: {  	_ =	shalt  }
0x3f: {  	_ =	shalt  }
0x40: {  	_ =	shalt  }
0x41: {  	_ =	shalt  }
0x42: {  	_ =	shalt  }
0x43: {  	_ =	shalt  }
0x44: {  	_ =	shalt  }
0x45: {  	_ =	shalt  }
0x46: {  	_ =	shalt  }
0x47: {  	_ =	shalt  }
0x48: {  	_ =	shalt  }
0x49: {  	_ =	shalt  }
0x4a: {  	_ =	shalt  }
0x4b: {  	_ =	shalt  }
0x4c: {  	_ =	shalt  }
0x4d: {  	_ =	shalt  }
0x4e: {  	_ =	shalt  }
0x4f: {  	_ =	shalt  }
0x50: {  	_ =	shalt  }
0x51: {  	_ =	shalt  }
0x52: {  	_ =	shalt  }
0x53: {  	_ =	shalt  }
0x54: {  	_ =	shalt  }
0x55: {  	_ =	shalt  }
0x56: {  	_ =	shalt  }
0x57: {  	_ =	shalt  }
0x58: {  	_ =	shalt  }
0x59: {  	_ =	shalt  }
0x5a: {  	_ =	shalt  }
0x5b: {  	_ =	shalt  }
0x5c: {  	_ =	shalt  }
0x5d: {  	_ =	shalt  }
0x5e: {  	_ =	shalt  }
0x5f: {  	_ =	shalt  }
0x60: {  	_ =	shalt  }
0x61: {  	_ =	shalt  }
0x62: {  	_ =	shalt  }
0x63: {  	_ =	shalt  }
0x64: {  	_ =	shalt  }
0x65: {  	_ =	shalt  }
0x66: {  	_ =	shalt  }
0x67: {  	_ =	shalt  }
0x68: {  	_ =	shalt  }
0x69: {  	_ =	shalt  }
0x6a: {  	_ =	shalt  }
0x6b: {  	_ =	shalt  }
0x6c: {  	_ =	shalt  }
0x6d: {  	_ =	shalt  }
0x6e: {  	_ =	shalt  }
0x6f: {  	_ =	shalt  }
0x70: {  	_ =	shalt  }
0x71: {  	_ =	shalt  }
0x72: {  	_ =	shalt  }
0x73: {  	_ =	shalt  }
0x74: {  	_ =	shalt  }
0x75: {  	_ =	shalt  }
0x76: {  	_ =	shalt  }
0x77: {  	_ =	shalt  }
0x78: {  	_ =	shalt  }
0x79: {  	_ =	shalt  }
0x7a: {  	_ =	shalt  }
0x7b: {  	_ =	shalt  }
0x7c: {  	_ =	shalt  }
0x7d: {  	_ =	shalt  }
0x7e: {  	_ =	shalt  }
0x7f: {  	_ =	shalt  }
0x80: {  	_ =	shalt  }
0x81: {  	_ =	shalt  }
0x82: {  	_ =	shalt  }
0x83: {  	_ =	shalt  }
0x84: {  	_ =	shalt  }
0x85: {  	_ =	shalt  }
0x86: {  	_ =	shalt  }
0x87: {  	_ =	shalt  }
.Lfunc_end0:
.L_simem_size_0:
called_computation.1_lowered:
.L_overlay_start_0:
0x88: {  	s2 =	sld [smem:$0x3FD9]  }
0x89: {  	s3 =	sld [smem:$0x3FFE];
	_ =	sdelay $0x1  }
0x8a: {  	s1 =	srdreg.scid  }
0x8b: {  	s0 =	sand.u32 $0x1, s1  }
0x8c: {  	s16 =	sshll.u32 s0, $0xA;
	s2 =	sadd.s32 s3, s2  }
0x8d: {  	s2 =	sadd.s32 s2, s16  }
0x8e: {  	[smem:$0x3FB9] =	sst s2  }
0x8f: {  	_ = 	snop  }
0x90: {  	(tm) =	ssettm $0x1  }
0x91: {  	s17 =	sld [smem:$0x3FFB];
	_ =	sdelay $0x3  }
0x92: {  	_ =	strace s17  }
0x93: {  	s2 =	sld [smem:$0x3FFC];
	_ =	sdelay $0x3  }
0x94: {  	_ =	strace s2  }
0x95: {  	s2 =	sld [smem:$0x3FFD];
	_ =	sdelay $0x3  }
0x96: {  	_ =	strace s2  }
0x97: {  	_ =	strace $0x8FFFFFFF  }
0x98: {  	s18 =	sld [smem:$0x3FDB];
	_ =	sdelay $0x1  }
0x99: {  	s19 =	simm.s32 $_scs_section_size  }
0x9a: {  	s4 =	simm.s32 $_size__tile_overlayer_lowered;
	s5 =	simm.s32 $_tile_overlayer_lowered  }
0x9b: {  	s22 =	simm.s32 $0x1BFF;
	s21 =	sshll.u32 s5, $0x1;
	s2 =	sadd.s32 s19, s18  }
0x9c: {  	s6 =	simm.s32 $0x0;
	s20 =	sshll.u32 s4, $0x1;
	s4 =	sadd.s32 s21, s2  }
0x9d: {  	[timem:s6], [sflag:s22] =	dma.local [hbm:s4], s20  }
0x9e: {  	_ =	swait.ge [sflag:s22], s20  }
0x9f: {  	s3 =	ssub.s32 $0x0, s20;
	[sflag:s22] =	ssyncset.done $0x0  }
0xa0: {  	[sflag:s22] =	ssyncadd.s32 s3;
	_ =	sdelay $0x1  }
0xa1: {  	s23 =	simm.s32 $0x1B8B  }
0xa2: {  	_ =	swait.ge [sflag:s23], $0x1  }
0xa3: {  	[sflag:s23] =	ssyncset.done $0x0  }
0xa4: {  	s25 =	simm.s32 $0x1B8E;
	s24 =	sld [smem:$0x3FFE];
	[sflag:s23] =	ssyncadd.s32 $0xFFFFFFFF  }
0xa5: {  	s26 =	simm.s32 $execute0_lowered;
	[smem:$0x3FD2] =	sst s25  }
0xa6: {  	s4 =	sshll.u32 s26, $0x1;
	_ =	strace $0x80000049;
	[dreg:$0x1] =	wrdreg $0xFFFFFFFF  }
0xa7: {  	s28 =	simm.s32 $_size_execute0_lowered;
	s2 =	sadd.s32 s2, s4;
	[dreg:$0x0] =	wrdreg $0x0  }
0xa8: {  	s4 =	sshll.u32 s28, $0x1;
	[dreg:$0x2] =	wrdreg s2  }
0xa9: {  	[dreg:$0x3] =	wrdreg s4  }
0xaa: {  	[dreg:$0x4] =	wrdreg $0xC0  }
0xab: {  	_ =	task [dreg:s6], $0x5FFFF  }
0xac: {  	[dreg:$0x1] =	wrdreg $0xFFFFFFFF  }
0xad: {  	[dreg:$0x0] =	wrdreg $0x60  }
0xae: {  	[dreg:$0x2] =	wrdreg s24  }
0xaf: {  	[dreg:$0x3] =	wrdreg $0x90000  }
0xb0: {  	[dreg:$0x4] =	wrdreg $0x9  }
0xb1: {  	_ =	task.clear_ibuf [dreg:s6], $0x5FFFF;
	_ =	strace $0x90000049  }
0xb2: {  	s29 =	simm.s32 $0x9;
	_ =	strace $0x8000004B  }
0xb3: {  	_ =	swait.ge [sflag:s29], $0x1  }
0xb4: {  	[sflag:s29] =	ssyncadd.s32 $0xFFFFFFFF  }
0xb5: {  	_ =	strace $0x9000004B  }
0xb6: {  	_ =	sfence  }
0xb7: {  	s30 =	sld [smem:$0x0];
	_ =	sdelay $0x2  }
0xb8: {  	s31 =	sshll.u32 s1, $0xD;
	s1 =	sshrl.u32 s1, $0x2  }
0xb9: {  	s3 =	sand.u32 $0x4000, s31;
	s1 =	sadd.s32 s1, s30  }
0xba: {  	s0 =	sor.u32 s3, s0;
	s1 =	sshll.u32 s1, $0x11  }
0xbb: {  	s0 =	sor.u32 s1, s0  }
0xbc: {  	s0 =	sadd.s32 $0x8F2B, s0  }
0xbd: {  	[sflag:s0] =	ssyncadd.remote.s32 $0x1  }
0xbe: {  	_ =	sfence.sel $0xFFFF  }
0xbf: {  	[dreg:$0x0] =	wrdreg $0xFFFFFFFF;
	(pc) =	sbr.abs _section_cstart, $3  }
0xc0: {  	[dreg:$0x1] =	wrdreg $0xFFFFFFFF  }
0xc1: {  	_ =	task.clear_ibuf [dreg:s6], $0x2FFFF;
	_ =	strace $0x9FFFFFFF  }
0xc2: {  	(tm) =	ssettm $0x7FFFFFFF  }
0xc3: {  	_ =	shalt  }
tec
execute0_lowered:
.L_overlay_start_1:
0x0: {  	(tag) =	ssettag $0x1  }
0x1: {  	s5 =	rddreg [dreg:$0x0]  }
0x2: {  	s0 =	srdreg.scid;
	s2 =	rddreg [dreg:$0x1]  }
0x3: {  	s1 =	rddreg [dreg:$0x2];
	s6 =	sand.u32 $0x1, s0  }
0x4: {  	s3 =	simm.s32 $0x0;
	s0 =	stileid.u32;
	s4 =	smul.u32 $0x28000, s6  }
0x5: {  	s14 =	simm.s32 $0x80;
	s15 =	simm.s32 $0x5000;
	s7 =	smul.u32 $0x2800, s0  }
0x6: {  	s16 =	simm.s32 $0x0;
	[smem:$0x7FF] =	sst s3;
	s28 =	smul.u32 $0x13C00, s0  }
0x7: {  	s9 =	smul.u32 $0x13C000, s6;
	_ =	strace $0x8000004A;
	s6 =	ssub.s32 $0x2, s6  }
0x8: {  	s11 =	smul.u32 $0x4F000, s0;
	s31 =	sshll.u32 s0, $0x6;
	s29 =	sshrl.u32 s6, $0x1  }
0x9: {  	s4 =	sadd.s32 s7, s4;
	s10 =	sshrl.u32 s28, $0x3;
	s7 =	sadd.s32 s28, s9  }
0xa: {  	s9 =	ssub.s32 s6, s29;
	s30 =	sshrl.u32 s11, $0x2;
	s11 =	simm.s32 $0x2800  }
0xb: {  	s8 =	sshrl.u32 s4, $0x3;
	s4 =	sadd.s32 $0x34C00, s5;
	s7 =	sshrl.u32 s7, $0x3  }
0xc: {  	s10 =	sadd.s32 s10, s5;
	s13 =	sadd.s32 s30, s2;
	s9 =	smax.u32 s9, $0x1  }
0xd: {  	s8 =	sadd.s32 s8, s5;
	s12 =	sadd.s32 s7, s5;
	s7 =	sadd.s32 $0xD400, s10  }
0xe: {  	s10 =	simm.s32 $0x1;
	s13 =	sshrl.u32 s13, $0x3;
	s5 =	sadd.s32 $0x83C00, s8  }
0xf: {  	s6 =	sadd.s32 $0x3400, s8;
	s8 =	sadd.s32 $0x8DC00, s12;
	s12 =	sor.u32 $0x1C01, s31  }
.LBB2_1:
0x10: {  	[tilespmem:s3], [sflag:$0x1] =	stream.linear.gather [hbm4b:s5+s3], $0x2780, $0x38;
	[tilespmem:$0x1CC00] =	vst v63  }
0x11: {  	_ =	swait.ge [sflag:s10], $0x2780  }
0x12: {  	[sflag:s10] =	ssyncset.done $0x0  }
0x13: {  	[sflag:s10] =	ssyncadd.s32 $0xFFFFD880  }
0x14: {  	[tilespmem:s11], [sflag:$0x1] =	stream.linear.gather [hbm4b:s6+s3], $0x2780, $0x38;
	[tilespmem:$0x1CC00] =	vst v63  }
0x15: {  	_ =	swait.ge [sflag:s10], $0x2780  }
0x16: {  	[sflag:s10] =	ssyncset.done $0x0  }
0x17: {  	[sflag:s10] =	ssyncadd.s32 $0xFFFFD880  }
0x18: {  	[spmem:s13], [sflag:s12] =	dma.local [hbm:s7], $0x2780  }
0x19: {  	_ =	swait.ge [sflag:s10], $0x2780  }
0x1a: {  	[sflag:s10] =	ssyncset.done $0x0  }
0x1b: {  	[sflag:s10] =	ssyncadd.s32 $0xFFFFD880  }
0x1c: {  	s17 =	simm.s32 $0x0;
	[bflag:$0x0] =	sbarrier.arrive $0xFFFF  }
0x1d: {  	[tilespmem:s15], [sflag:$0x1] =	stream.indirect.gather [hbm4b:s4+s14], $0x80, s17, s14, $0xb8;
	[tilespmem:$0x1CC00] =	vst v63  }
0x1e: {  	_ =	swait.ge [sflag:s10], $0x4000  }
0x1f: {  	[sflag:s10] =	ssyncset.done $0x0  }
0x20: {  	s31 =	simm.s32 $0x2800;
	[sflag:s10] =	ssyncadd.s32 $0xFFFFC000  }
0x21: {  	[spmem:s2] =	stream.indirect.scatter.add.f32 [tilespmem:s15], [sflag:$0x1], $0x80, s31, s14, $0xb8;
	[tilespmem:$0x1CC00] =	vst v63  }
0x22: {  	_ =	swait.ge [sflag:s10], $0x4000  }
0x23: {  	s18 =	simm.s32 $0x400;
	s17 =	simm.s32 $0x200;
	[sflag:s10] =	ssyncset.done $0x0  }
.LBB2_2:
0x24: {  	s19 =	sshra.s32 s17, $0x2  }
0x25: {  	[sflag:s10] =	ssyncadd.s32 $0xFFFFC000;
	s17 =	smov.u32 s18;
	s20 =	sadd.s32 $0x200, s18  }
0x26: {  	[tilespmem:s15], [sflag:$0x1] =	stream.indirect.gather [hbm4b:s4+s14], $0x80, s19, s14, $0xb8;
	[tilespmem:$0x1CC00] =	vst v63  }
0x27: {  	p0 =	sne.s32 s18, $0x9C00;
	_ =	swait.ge [sflag:s10], $0x4000  }
.Ltmp0:
0x28: {  	[sflag:s10] =	ssyncset.done $0x0;
	(pc) =	sbr.rel @p0 .LBB2_2-.Ltmp0, $4  }
0x29: {  	s18 =	sadd.s32 $0x2800, s19;
	[sflag:s10] =	ssyncadd.s32 $0xFFFFC000  }
0x2a: {  	[spmem:s2] =	stream.indirect.scatter.add.f32 [tilespmem:s15], [sflag:$0x1], $0x80, s18, s14, $0xb8;
	[tilespmem:$0x1CC00] =	vst v63  }
0x2b: {  	_ =	swait.ge [sflag:s10], $0x4000  }
0x2c: {  	s18 =	smov.u32 s20;
	[sflag:s10] =	ssyncset.done $0x0  }
0x2d: {  	s17 =	sshra.s32 s17, $0x2;
	[sflag:s10] =	ssyncadd.s32 $0xFFFFC000  }
0x2e: {  	[tilespmem:s15], [sflag:$0x1] =	stream.indirect.gather [hbm4b:s4+s14], $0x80, s17, s14, $0xb8;
	[tilespmem:$0x1CC00] =	vst v63  }
0x2f: {  	_ =	swait.ge [sflag:s10], $0x4000  }
0x30: {  	[sflag:s10] =	ssyncset.done $0x0  }
0x31: {  	s17 =	sadd.s32 $0x2800, s17;
	[sflag:s10] =	ssyncadd.s32 $0xFFFFC000  }
0x32: {  	[spmem:s2] =	stream.indirect.scatter.add.f32 [tilespmem:s15], [sflag:$0x1], $0x80, s17, s14, $0xb8;
	[tilespmem:$0x1CC00] =	vst v63  }
0x33: {  	_ =	swait.ge [sflag:s10], $0x4000  }
0x34: {  	s16 =	sadd.s32 $0x1, s16;
	[sflag:s10] =	ssyncset.done $0x0  }
0x35: {  	p0 =	sne.s32 s16, s9;
	[sflag:s10] =	ssyncadd.s32 $0xFFFFC000  }
.Ltmp1:
0x36: {  	[bflag:$0x0] =	sbarrier.arrive $0xFFFF;
	(pc) =	sbr.rel @p0 .LBB2_1-.Ltmp1, $4  }
0x37: {  	[hbm:s8], [sflag:s12] =	dma.local [spmem:s13], $0x2780  }
0x38: {  	_ =	swait.ge [sflag:s10], $0x2780  }
0x39: {  	[sflag:s10] =	ssyncset.done $0x0  }
0x3a: {  	[sflag:s10] =	ssyncadd.s32 $0xFFFFD880  }
0x3b: {  	_ =	sfence.sel $0x180000  }
0x3c: {  	[bflag:$0x0] =	sbarrier.arrive $0xFFFF  }
0x3d: {  	p0 =	sne.s32 s0, $0x0;
	_ =	strace $0x9000004A  }
0x3e: {  	s0 =	sadd.s32 @!p0 $0x100000, s1;
	[bflag:$0x2] =	sbarrier.arrive $0xFFFF  }
0x3f: {  	[sflag:s0] =	ssyncadd.tile.s32 @!p0 $0x1;
	_ =	shalt  }
.Lfunc_end2:
_tile_overlayer_lowered:
.L_overlay_start_2:
0x40: {  	(tag) =	ssettag $0x2  }
0x41: {  	s0 =	rddreg [dreg:$0x0];
	s2 =	stileid.u32  }
0x42: {  	s1 =	rddreg [dreg:$0x1];
	p0 =	sne.s32 s2, $0x0  }
0x43: {  	s3 =	rddreg [dreg:$0x2];
	[bflag:$0x3] =	sbarrier.arrive $0xFFFF;
	s2 =	simm.s32 @!p0 $0x1C01  }
0x44: {  	[timem:s3], [sflag:s2] =	dma.local @!p0 [hbm:s0], s1  }
0x45: {  	s0 =	simm.s32 @!p0 $0x1  }
0x46: {  	_ =	swait.ge @!p0 [sflag:s0], s1  }
0x47: {  	s1 =	ssub.s32 @!p0 $0x0, s1;
	[sflag:s0] =	ssyncset.done @!p0 $0x0  }
0x48: {  	[sflag:s0] =	ssyncadd.s32 @!p0 s1  }
0x49: {  	[bflag:$0x3] =	sbarrier.arrive $0xFFFF  }
0x4a: {  	_ =	shalt  }

// kernel: kernel.18.cloned.1.call-start
scs
__scs_entry_jumppad:
0x0: {  	(pc) =	sbr.rel $0x88, $3  }
0x1: {  	(tag) =	ssettag $0x0;
	lr =	simm.s32 $0x1  }
0x2: {  	[smem:$0x3F92] =	sst lr;
	_ =	strace $0xD0000000  }
0x3: {  	_ = 	snop  }
0x4: {  	_ = 	snop  }
0x5: {  	_ = 	snop  }
0x6: {  	_ = 	snop  }
0x7: {  	_ = 	snop  }
__scs_overlays_trampoline_lowered:
0x8: {  	[smem:$0x3FA1] =	sst s0  }
0x9: {  	[smem:$0x3FA2] =	sst s1  }
0xa: {  	[smem:$0x3FA3] =	sst s2  }
0xb: {  	[smem:$0x3FA4] =	sst s3  }
0xc: {  	[smem:$0x3FA5] =	sst s4  }
0xd: {  	[smem:$0x3FA6] =	sst s5  }
0xe: {  	[smem:$0x3FA7] =	sst s6  }
0xf: {  	[smem:$0x3FA8] =	sst s7  }
0x10: {  	[smem:$0x3FA9] =	sst s8  }
0x11: {  	[smem:$0x3FAA] =	sst s9;
	s0 =	simm.s32 @!p0 $0x0  }
0x12: {  	s1 =	sld [smem:$0x3F90];
	s0 =	simm.s32 @p0 $0x1  }
0x13: {  	[smem:$0x3FAB] =	sst s0;
	s0 =	simm.s32 @!p1 $0x0  }
0x14: {  	s2 =	sld [smem:$0x3F8F];
	s0 =	simm.s32 @p1 $0x1  }
0x15: {  	[smem:$0x3FAC] =	sst s0;
	s0 =	simm.s32 @!p2 $0x0  }
0x16: {  	s3 =	sld [smem:$0x3FDB];
	s0 =	simm.s32 @p2 $0x1  }
0x17: {  	s4 =	simm.s32 $0x1BF5;
	[smem:$0x3FAE] =	sst s0  }
0x18: {  	s0 =	sld [smem:$0x3F91];
	_ =	swait.ge [sflag:s4], $0x0  }
0x19: {  	s7 =	sld [smem:$0x3F92]  }
0x1a: {  	s8 =	sadd.s32 $0xFFFFE003, lr  }
0x1b: {  	s9 =	sadd.s32 $0xFFFFFEF7, lr;
	s5 =	simm.s32 $0xFFFFFFFF;
	p2 =	slt.u32 s8, $0xFFFFF086  }
0x1c: {  	p1 =	slt.u32 s9, $0xF7A;
	s5 =	simm.s32 @!p2 $0x0  }
0x1d: {  	s5 =	simm.s32 @p1 $0x1;
	p0 =	seq.s32 s7, s2  }
0x1e: {  	s7 =	smul.u32 @!p0 $0xF7A, s2;
	p2 =	seq.s32 @!p0 s5, $0x0  }
0x1f: {  	s9 =	smul.u32 $0xF7A, s1;
	s8 =	simm.s32 @!p0 $0x1BF5;
	p2 =	por !p2, p0  }
0x20: {  	[sflag:s8] =	ssyncset.s32 @!p0 $0xFFFFF086;
	s6 =	sadd.s32 @!p0 s3, s7;
	s7 =	simm.s32 @!p0 $0x108  }
0x21: {  	s3 =	sadd.s32 s3, s9;
	s6 =	sadd.s32 @!p0 $0x88, s6;
	s7 =	simm.s32 @p2 $0x1082  }
0x22: {  	[simem:s7], [sflag:s8] =	dma.local @!p0 [hbm:s6], $0xF7A  }
0x23: {  	s9 =	sor.u32 $0xD0000000, s2;
	s6 =	simm.s32 $0x108;
	_ =	swait.ge @!p0 [sflag:s8], $0x0  }
0x24: {  	s3 =	sadd.s32 $0x88, s3;
	s6 =	simm.s32 @!p1 $0x1082;
	[sflag:s4] =	ssyncset.s32 $0xFFFFF086  }
0x25: {  	[simem:s6], [sflag:s4] =	dma.local [hbm:s3], $0xF7A  }
0x26: {  	[smem:$0x3F92] =	sst s1;
	(tag) =	ssettag s2;
	_ =	strace s9  }
0x27: {  	s1 =	sld [smem:$0x3FA2]  }
0x28: {  	s2 =	sld [smem:$0x3FA3]  }
0x29: {  	s4 =	sld [smem:$0x3FA5]  }
0x2a: {  	p0 =	seq.s32 s5, $0x0;
	s5 =	sld [smem:$0x3FA6]  }
0x2b: {  	s6 =	sld [smem:$0x3FA7]  }
0x2c: {  	s7 =	sld [smem:$0x3FA8]  }
0x2d: {  	s3 =	simm.s32 $0x108;
	s8 =	sld [smem:$0x3FA9]  }
0x2e: {  	s3 =	simm.s32 @!p0 $0x1082;
	s9 =	sld [smem:$0x3FAA]  }
0x2f: {  	lr =	sadd.s32 s0, s3;
	s0 =	sld [smem:$0x3FA1]  }
0x30: {  	s3 =	sld [smem:$0x3FA4]  }
0x31: {  	[smem:$0x3FAD] =	sst s10  }
0x32: {  	s10 =	sld [smem:$0x3FAB];
	_ =	sdelay $0x3  }
0x33: {  	p0 =	seq.s32 s10, $0x1;
	s10 =	sld [smem:$0x3FAD];
	_ =	sdelay $0x3  }
0x34: {  	[smem:$0x3FAD] =	sst s10  }
0x35: {  	s10 =	sld [smem:$0x3FAC];
	_ =	sdelay $0x3  }
0x36: {  	p1 =	seq.s32 s10, $0x1;
	s10 =	sld [smem:$0x3FAD];
	_ =	sdelay $0x3  }
0x37: {  	[smem:$0x3FAD] =	sst s10  }
0x38: {  	s10 =	sld [smem:$0x3FAE]  }
0x39: {  	_ = 	snop;
	(pc) =	sbr.ind lr, $3  }
0x3a: {  	_ = 	snop  }
0x3b: {  	_ = 	snop  }
0x3c: {  	p2 =	seq.s32 s10, $0x1;
	s10 =	sld [smem:$0x3FAD]  }
0x3d: {  	_ =	shalt  }
0x3e: {  	_ =	shalt  }
0x3f: {  	_ =	shalt  }
0x40: {  	_ =	shalt  }
0x41: {  	_ =	shalt  }
0x42: {  	_ =	shalt  }
0x43: {  	_ =	shalt  }
0x44: {  	_ =	shalt  }
0x45: {  	_ =	shalt  }
0x46: {  	_ =	shalt  }
0x47: {  	_ =	shalt  }
0x48: {  	_ =	shalt  }
0x49: {  	_ =	shalt  }
0x4a: {  	_ =	shalt  }
0x4b: {  	_ =	shalt  }
0x4c: {  	_ =	shalt  }
0x4d: {  	_ =	shalt  }
0x4e: {  	_ =	shalt  }
0x4f: {  	_ =	shalt  }
0x50: {  	_ =	shalt  }
0x51: {  	_ =	shalt  }
0x52: {  	_ =	shalt  }
0x53: {  	_ =	shalt  }
0x54: {  	_ =	shalt  }
0x55: {  	_ =	shalt  }
0x56: {  	_ =	shalt  }
0x57: {  	_ =	shalt  }
0x58: {  	_ =	shalt  }
0x59: {  	_ =	shalt  }
0x5a: {  	_ =	shalt  }
0x5b: {  	_ =	shalt  }
0x5c: {  	_ =	shalt  }
0x5d: {  	_ =	shalt  }
0x5e: {  	_ =	shalt  }
0x5f: {  	_ =	shalt  }
0x60: {  	_ =	shalt  }
0x61: {  	_ =	shalt  }
0x62: {  	_ =	shalt  }
0x63: {  	_ =	shalt  }
0x64: {  	_ =	shalt  }
0x65: {  	_ =	shalt  }
0x66: {  	_ =	shalt  }
0x67: {  	_ =	shalt  }
0x68: {  	_ =	shalt  }
0x69: {  	_ =	shalt  }
0x6a: {  	_ =	shalt  }
0x6b: {  	_ =	shalt  }
0x6c: {  	_ =	shalt  }
0x6d: {  	_ =	shalt  }
0x6e: {  	_ =	shalt  }
0x6f: {  	_ =	shalt  }
0x70: {  	_ =	shalt  }
0x71: {  	_ =	shalt  }
0x72: {  	_ =	shalt  }
0x73: {  	_ =	shalt  }
0x74: {  	_ =	shalt  }
0x75: {  	_ =	shalt  }
0x76: {  	_ =	shalt  }
0x77: {  	_ =	shalt  }
0x78: {  	_ =	shalt  }
0x79: {  	_ =	shalt  }
0x7a: {  	_ =	shalt  }
0x7b: {  	_ =	shalt  }
0x7c: {  	_ =	shalt  }
0x7d: {  	_ =	shalt  }
0x7e: {  	_ =	shalt  }
0x7f: {  	_ =	shalt  }
0x80: {  	_ =	shalt  }
0x81: {  	_ =	shalt  }
0x82: {  	_ =	shalt  }
0x83: {  	_ =	shalt  }
0x84: {  	_ =	shalt  }
0x85: {  	_ =	shalt  }
0x86: {  	_ =	shalt  }
0x87: {  	_ =	shalt  }
.Lfunc_end0:
.L_simem_size_0:
called_computation.2_lowered:
.L_overlay_start_0:
0x88: {  	s2 =	sld [smem:$0x3FD9]  }
0x89: {  	s3 =	sld [smem:$0x3FFE];
	_ =	sdelay $0x1  }
0x8a: {  	s1 =	srdreg.scid  }
0x8b: {  	s0 =	sand.u32 $0x1, s1  }
0x8c: {  	s16 =	sshll.u32 s0, $0xA;
	s2 =	sadd.s32 s3, s2  }
0x8d: {  	s2 =	sadd.s32 s2, s16  }
0x8e: {  	[smem:$0x3FB9] =	sst s2  }
0x8f: {  	_ = 	snop  }
0x90: {  	(tm) =	ssettm $0x1  }
0x91: {  	s17 =	sld [smem:$0x3FFB];
	_ =	sdelay $0x3  }
0x92: {  	_ =	strace s17  }
0x93: {  	s2 =	sld [smem:$0x3FFC];
	_ =	sdelay $0x3  }
0x94: {  	_ =	strace s2  }
0x95: {  	s2 =	sld [smem:$0x3FFD];
	_ =	sdelay $0x3  }
0x96: {  	_ =	strace s2  }
0x97: {  	_ =	strace $0x8FFFFFFF  }
0x98: {  	s18 =	sld [smem:$0x3FDB];
	_ =	sdelay $0x1  }
0x99: {  	s19 =	simm.s32 $_scs_section_size  }
0x9a: {  	s4 =	simm.s32 $_size__tile_overlayer_lowered;
	s5 =	simm.s32 $_tile_overlayer_lowered  }
0x9b: {  	s22 =	simm.s32 $0x1BFF;
	s21 =	sshll.u32 s5, $0x1;
	s2 =	sadd.s32 s19, s18  }
0x9c: {  	s6 =	simm.s32 $0x0;
	s20 =	sshll.u32 s4, $0x1;
	s4 =	sadd.s32 s21, s2  }
0x9d: {  	[timem:s6], [sflag:s22] =	dma.local [hbm:s4], s20  }
0x9e: {  	_ =	swait.ge [sflag:s22], s20  }
0x9f: {  	s3 =	ssub.s32 $0x0, s20;
	[sflag:s22] =	ssyncset.done $0x0  }
0xa0: {  	[sflag:s22] =	ssyncadd.s32 s3;
	_ =	sdelay $0x1  }
0xa1: {  	s23 =	simm.s32 $0x1B8B  }
0xa2: {  	_ =	swait.ge [sflag:s23], $0x1  }
0xa3: {  	[sflag:s23] =	ssyncset.done $0x0  }
0xa4: {  	s25 =	simm.s32 $0x1B8E;
	s24 =	sld [smem:$0x3FFE];
	[sflag:s23] =	ssyncadd.s32 $0xFFFFFFFF  }
0xa5: {  	s26 =	simm.s32 $execute0_lowered;
	[smem:$0x3FD2] =	sst s25  }
0xa6: {  	s4 =	sshll.u32 s26, $0x1;
	_ =	strace $0x8000004C;
	[dreg:$0x1] =	wrdreg $0xFFFFFFFF  }
0xa7: {  	s28 =	simm.s32 $_size_execute0_lowered;
	s2 =	sadd.s32 s2, s4;
	[dreg:$0x0] =	wrdreg $0x0  }
0xa8: {  	s4 =	sshll.u32 s28, $0x1;
	[dreg:$0x2] =	wrdreg s2  }
0xa9: {  	[dreg:$0x3] =	wrdreg s4  }
0xaa: {  	[dreg:$0x4] =	wrdreg $0xC0  }
0xab: {  	_ =	task [dreg:s6], $0x5FFFF  }
0xac: {  	[dreg:$0x1] =	wrdreg $0xFFFFFFFF  }
0xad: {  	[dreg:$0x0] =	wrdreg $0x60  }
0xae: {  	[dreg:$0x2] =	wrdreg s24  }
0xaf: {  	[dreg:$0x3] =	wrdreg $0x90000  }
0xb0: {  	[dreg:$0x4] =	wrdreg $0x9  }
0xb1: {  	_ =	task.clear_ibuf [dreg:s6], $0x5FFFF;
	_ =	strace $0x9000004C  }
0xb2: {  	s29 =	simm.s32 $0x9;
	_ =	strace $0x8000004E  }
0xb3: {  	_ =	swait.ge [sflag:s29], $0x1  }
0xb4: {  	[sflag:s29] =	ssyncadd.s32 $0xFFFFFFFF  }
0xb5: {  	_ =	strace $0x9000004E  }
0xb6: {  	_ =	sfence  }
0xb7: {  	s30 =	sld [smem:$0x0];
	_ =	sdelay $0x2  }
0xb8: {  	s31 =	sshll.u32 s1, $0xD;
	s1 =	sshrl.u32 s1, $0x2  }
0xb9: {  	s3 =	sand.u32 $0x4000, s31;
	s1 =	sadd.s32 s1, s30  }
0xba: {  	s0 =	sor.u32 s3, s0;
	s1 =	sshll.u32 s1, $0x11  }
0xbb: {  	s0 =	sor.u32 s1, s0  }
0xbc: {  	s0 =	sadd.s32 $0x8F2B, s0  }
0xbd: {  	[sflag:s0] =	ssyncadd.remote.s32 $0x1  }
0xbe: {  	_ =	sfence.sel $0xFFFF  }
0xbf: {  	[dreg:$0x0] =	wrdreg $0xFFFFFFFF;
	(pc) =	sbr.abs _section_cstart, $3  }
0xc0: {  	[dreg:$0x1] =	wrdreg $0xFFFFFFFF  }
0xc1: {  	_ =	task.clear_ibuf [dreg:s6], $0x2FFFF;
	_ =	strace $0x9FFFFFFF  }
0xc2: {  	(tm) =	ssettm $0x7FFFFFFF  }
0xc3: {  	_ =	shalt  }
tec
execute0_lowered:
.L_overlay_start_1:
0x0: {  	(tag) =	ssettag $0x1  }
0x1: {  	s5 =	rddreg [dreg:$0x0]  }
0x2: {  	s0 =	srdreg.scid;
	s2 =	rddreg [dreg:$0x1]  }
0x3: {  	s1 =	rddreg [dreg:$0x2];
	s6 =	sand.u32 $0x1, s0  }
0x4: {  	s3 =	simm.s32 $0x0;
	s0 =	stileid.u32;
	s4 =	smul.u32 $0x28000, s6  }
0x5: {  	s14 =	simm.s32 $0x80;
	s15 =	simm.s32 $0x5000;
	s7 =	smul.u32 $0x2800, s0  }
0x6: {  	s16 =	simm.s32 $0x0;
	[smem:$0x7FF] =	sst s3;
	s28 =	smul.u32 $0x13C00, s0  }
0x7: {  	s9 =	smul.u32 $0x13C000, s6;
	_ =	strace $0x8000004D;
	s6 =	ssub.s32 $0x2, s6  }
0x8: {  	s11 =	smul.u32 $0x4F000, s0;
	s31 =	sshll.u32 s0, $0x6;
	s29 =	sshrl.u32 s6, $0x1  }
0x9: {  	s4 =	sadd.s32 s7, s4;
	s10 =	sshrl.u32 s28, $0x3;
	s7 =	sadd.s32 s28, s9  }
0xa: {  	s9 =	ssub.s32 s6, s29;
	s30 =	sshrl.u32 s11, $0x2;
	s11 =	simm.s32 $0x2800  }
0xb: {  	s8 =	sshrl.u32 s4, $0x3;
	s4 =	sadd.s32 $0x34C00, s5;
	s7 =	sshrl.u32 s7, $0x3  }
0xc: {  	s10 =	sadd.s32 s10, s5;
	s13 =	sadd.s32 s30, s2;
	s9 =	smax.u32 s9, $0x1  }
0xd: {  	s8 =	sadd.s32 s8, s5;
	s12 =	sadd.s32 s7, s5;
	s7 =	sadd.s32 $0xD400, s10  }
0xe: {  	s10 =	simm.s32 $0x1;
	s13 =	sshrl.u32 s13, $0x3;
	s5 =	sadd.s32 $0x83C00, s8  }
0xf: {  	s6 =	sadd.s32 $0x3400, s8;
	s8 =	sadd.s32 $0x8DC00, s12;
	s12 =	sor.u32 $0x1C01, s31  }
.LBB2_1:
0x10: {  	[tilespmem:s3], [sflag:$0x1] =	stream.linear.gather [hbm4b:s5+s3], $0x2780, $0x38;
	[tilespmem:$0x1CC00] =	vst v63  }
0x11: {  	_ =	swait.ge [sflag:s10], $0x2780  }
0x12: {  	[sflag:s10] =	ssyncset.done $0x0  }
0x13: {  	[sflag:s10] =	ssyncadd.s32 $0xFFFFD880  }
0x14: {  	[tilespmem:s11], [sflag:$0x1] =	stream.linear.gather [hbm4b:s6+s3], $0x2780, $0x38;
	[tilespmem:$0x1CC00] =	vst v63  }
0x15: {  	_ =	swait.ge [sflag:s10], $0x2780  }
0x16: {  	[sflag:s10] =	ssyncset.done $0x0  }
0x17: {  	[sflag:s10] =	ssyncadd.s32 $0xFFFFD880  }
0x18: {  	[spmem:s13], [sflag:s12] =	dma.local [hbm:s7], $0x2780  }
0x19: {  	_ =	swait.ge [sflag:s10], $0x2780  }
0x1a: {  	[sflag:s10] =	ssyncset.done $0x0  }
0x1b: {  	[sflag:s10] =	ssyncadd.s32 $0xFFFFD880  }
0x1c: {  	s17 =	simm.s32 $0x0;
	[bflag:$0x0] =	sbarrier.arrive $0xFFFF  }
0x1d: {  	[tilespmem:s15], [sflag:$0x1] =	stream.indirect.gather [hbm4b:s4+s14], $0x80, s17, s14, $0xb8;
	[tilespmem:$0x1CC00] =	vst v63  }
0x1e: {  	_ =	swait.ge [sflag:s10], $0x4000  }
0x1f: {  	[sflag:s10] =	ssyncset.done $0x0  }
0x20: {  	s31 =	simm.s32 $0x2800;
	[sflag:s10] =	ssyncadd.s32 $0xFFFFC000  }
0x21: {  	[spmem:s2] =	stream.indirect.scatter.add.f32 [tilespmem:s15], [sflag:$0x1], $0x80, s31, s14, $0xb8;
	[tilespmem:$0x1CC00] =	vst v63  }
0x22: {  	_ =	swait.ge [sflag:s10], $0x4000  }
0x23: {  	s18 =	simm.s32 $0x400;
	s17 =	simm.s32 $0x200;
	[sflag:s10] =	ssyncset.done $0x0  }
.LBB2_2:
0x24: {  	s19 =	sshra.s32 s17, $0x2  }
0x25: {  	[sflag:s10] =	ssyncadd.s32 $0xFFFFC000;
	s17 =	smov.u32 s18;
	s20 =	sadd.s32 $0x200, s18  }
0x26: {  	[tilespmem:s15], [sflag:$0x1] =	stream.indirect.gather [hbm4b:s4+s14], $0x80, s19, s14, $0xb8;
	[tilespmem:$0x1CC00] =	vst v63  }
0x27: {  	p0 =	sne.s32 s18, $0x9C00;
	_ =	swait.ge [sflag:s10], $0x4000  }
.Ltmp0:
0x28: {  	[sflag:s10] =	ssyncset.done $0x0;
	(pc) =	sbr.rel @p0 .LBB2_2-.Ltmp0, $4  }
0x29: {  	s18 =	sadd.s32 $0x2800, s19;
	[sflag:s10] =	ssyncadd.s32 $0xFFFFC000  }
0x2a: {  	[spmem:s2] =	stream.indirect.scatter.add.f32 [tilespmem:s15], [sflag:$0x1], $0x80, s18, s14, $0xb8;
	[tilespmem:$0x1CC00] =	vst v63  }
0x2b: {  	_ =	swait.ge [sflag:s10], $0x4000  }
0x2c: {  	s18 =	smov.u32 s20;
	[sflag:s10] =	ssyncset.done $0x0  }
0x2d: {  	s17 =	sshra.s32 s17, $0x2;
	[sflag:s10] =	ssyncadd.s32 $0xFFFFC000  }
0x2e: {  	[tilespmem:s15], [sflag:$0x1] =	stream.indirect.gather [hbm4b:s4+s14], $0x80, s17, s14, $0xb8;
	[tilespmem:$0x1CC00] =	vst v63  }
0x2f: {  	_ =	swait.ge [sflag:s10], $0x4000  }
0x30: {  	[sflag:s10] =	ssyncset.done $0x0  }
0x31: {  	s17 =	sadd.s32 $0x2800, s17;
	[sflag:s10] =	ssyncadd.s32 $0xFFFFC000  }
0x32: {  	[spmem:s2] =	stream.indirect.scatter.add.f32 [tilespmem:s15], [sflag:$0x1], $0x80, s17, s14, $0xb8;
	[tilespmem:$0x1CC00] =	vst v63  }
0x33: {  	_ =	swait.ge [sflag:s10], $0x4000  }
0x34: {  	s16 =	sadd.s32 $0x1, s16;
	[sflag:s10] =	ssyncset.done $0x0  }
0x35: {  	p0 =	sne.s32 s16, s9;
	[sflag:s10] =	ssyncadd.s32 $0xFFFFC000  }
.Ltmp1:
0x36: {  	[bflag:$0x0] =	sbarrier.arrive $0xFFFF;
	(pc) =	sbr.rel @p0 .LBB2_1-.Ltmp1, $4  }
0x37: {  	[hbm:s8], [sflag:s12] =	dma.local [spmem:s13], $0x2780  }
0x38: {  	_ =	swait.ge [sflag:s10], $0x2780  }
0x39: {  	[sflag:s10] =	ssyncset.done $0x0  }
0x3a: {  	[sflag:s10] =	ssyncadd.s32 $0xFFFFD880  }
0x3b: {  	_ =	sfence.sel $0x180000  }
0x3c: {  	[bflag:$0x0] =	sbarrier.arrive $0xFFFF  }
0x3d: {  	p0 =	sne.s32 s0, $0x0;
	_ =	strace $0x9000004D  }
0x3e: {  	s0 =	sadd.s32 @!p0 $0x100000, s1;
	[bflag:$0x2] =	sbarrier.arrive $0xFFFF  }
0x3f: {  	[sflag:s0] =	ssyncadd.tile.s32 @!p0 $0x1;
	_ =	shalt  }
.Lfunc_end2:
_tile_overlayer_lowered:
.L_overlay_start_2:
0x40: {  	(tag) =	ssettag $0x2  }
0x41: {  	s0 =	rddreg [dreg:$0x0];
	s2 =	stileid.u32  }
0x42: {  	s1 =	rddreg [dreg:$0x1];
	p0 =	sne.s32 s2, $0x0  }
0x43: {  	s3 =	rddreg [dreg:$0x2];
	[bflag:$0x3] =	sbarrier.arrive $0xFFFF;
	s2 =	simm.s32 @!p0 $0x1C01  }
0x44: {  	[timem:s3], [sflag:s2] =	dma.local @!p0 [hbm:s0], s1  }
0x45: {  	s0 =	simm.s32 @!p0 $0x1  }
0x46: {  	_ =	swait.ge @!p0 [sflag:s0], s1  }
0x47: {  	s1 =	ssub.s32 @!p0 $0x0, s1;
	[sflag:s0] =	ssyncset.done @!p0 $0x0  }
0x48: {  	[sflag:s0] =	ssyncadd.s32 @!p0 s1  }
0x49: {  	[bflag:$0x3] =	sbarrier.arrive $0xFFFF  }
0x4a: {  	_ =	shalt  }

// kernel: kernel.21.cloned.1.call-start
scs
__scs_entry_jumppad:
0x0: {  	(pc) =	sbr.rel $0x88, $3  }
0x1: {  	(tag) =	ssettag $0x0;
	lr =	simm.s32 $0x1  }
0x2: {  	[smem:$0x3F92] =	sst lr;
	_ =	strace $0xD0000000  }
0x3: {  	_ = 	snop  }
0x4: {  	_ = 	snop  }
0x5: {  	_ = 	snop  }
0x6: {  	_ = 	snop  }
0x7: {  	_ = 	snop  }
__scs_overlays_trampoline_lowered:
0x8: {  	[smem:$0x3FA1] =	sst s0  }
0x9: {  	[smem:$0x3FA2] =	sst s1  }
0xa: {  	[smem:$0x3FA3] =	sst s2  }
0xb: {  	[smem:$0x3FA4] =	sst s3  }
0xc: {  	[smem:$0x3FA5] =	sst s4  }
0xd: {  	[smem:$0x3FA6] =	sst s5  }
0xe: {  	[smem:$0x3FA7] =	sst s6  }
0xf: {  	[smem:$0x3FA8] =	sst s7  }
0x10: {  	[smem:$0x3FA9] =	sst s8  }
0x11: {  	[smem:$0x3FAA] =	sst s9;
	s0 =	simm.s32 @!p0 $0x0  }
0x12: {  	s1 =	sld [smem:$0x3F90];
	s0 =	simm.s32 @p0 $0x1  }
0x13: {  	[smem:$0x3FAB] =	sst s0;
	s0 =	simm.s32 @!p1 $0x0  }
0x14: {  	s2 =	sld [smem:$0x3F8F];
	s0 =	simm.s32 @p1 $0x1  }
0x15: {  	[smem:$0x3FAC] =	sst s0;
	s0 =	simm.s32 @!p2 $0x0  }
0x16: {  	s3 =	sld [smem:$0x3FDB];
	s0 =	simm.s32 @p2 $0x1  }
0x17: {  	s4 =	simm.s32 $0x1BF5;
	[smem:$0x3FAE] =	sst s0  }
0x18: {  	s0 =	sld [smem:$0x3F91];
	_ =	swait.ge [sflag:s4], $0x0  }
0x19: {  	s7 =	sld [smem:$0x3F92]  }
0x1a: {  	s8 =	sadd.s32 $0xFFFFE003, lr  }
0x1b: {  	s9 =	sadd.s32 $0xFFFFFEF7, lr;
	s5 =	simm.s32 $0xFFFFFFFF;
	p2 =	slt.u32 s8, $0xFFFFF086  }
0x1c: {  	p1 =	slt.u32 s9, $0xF7A;
	s5 =	simm.s32 @!p2 $0x0  }
0x1d: {  	s5 =	simm.s32 @p1 $0x1;
	p0 =	seq.s32 s7, s2  }
0x1e: {  	s7 =	smul.u32 @!p0 $0xF7A, s2;
	p2 =	seq.s32 @!p0 s5, $0x0  }
0x1f: {  	s9 =	smul.u32 $0xF7A, s1;
	s8 =	simm.s32 @!p0 $0x1BF5;
	p2 =	por !p2, p0  }
0x20: {  	[sflag:s8] =	ssyncset.s32 @!p0 $0xFFFFF086;
	s6 =	sadd.s32 @!p0 s3, s7;
	s7 =	simm.s32 @!p0 $0x108  }
0x21: {  	s3 =	sadd.s32 s3, s9;
	s6 =	sadd.s32 @!p0 $0x88, s6;
	s7 =	simm.s32 @p2 $0x1082  }
0x22: {  	[simem:s7], [sflag:s8] =	dma.local @!p0 [hbm:s6], $0xF7A  }
0x23: {  	s9 =	sor.u32 $0xD0000000, s2;
	s6 =	simm.s32 $0x108;
	_ =	swait.ge @!p0 [sflag:s8], $0x0  }
0x24: {  	s3 =	sadd.s32 $0x88, s3;
	s6 =	simm.s32 @!p1 $0x1082;
	[sflag:s4] =	ssyncset.s32 $0xFFFFF086  }
0x25: {  	[simem:s6], [sflag:s4] =	dma.local [hbm:s3], $0xF7A  }
0x26: {  	[smem:$0x3F92] =	sst s1;
	(tag) =	ssettag s2;
	_ =	strace s9  }
0x27: {  	s1 =	sld [smem:$0x3FA2]  }
0x28: {  	s2 =	sld [smem:$0x3FA3]  }
0x29: {  	s4 =	sld [smem:$0x3FA5]  }
0x2a: {  	p0 =	seq.s32 s5, $0x0;
	s5 =	sld [smem:$0x3FA6]  }
0x2b: {  	s6 =	sld [smem:$0x3FA7]  }
0x2c: {  	s7 =	sld [smem:$0x3FA8]  }
0x2d: {  	s3 =	simm.s32 $0x108;
	s8 =	sld [smem:$0x3FA9]  }
0x2e: {  	s3 =	simm.s32 @!p0 $0x1082;
	s9 =	sld [smem:$0x3FAA]  }
0x2f: {  	lr =	sadd.s32 s0, s3;
	s0 =	sld [smem:$0x3FA1]  }
0x30: {  	s3 =	sld [smem:$0x3FA4]  }
0x31: {  	[smem:$0x3FAD] =	sst s10  }
0x32: {  	s10 =	sld [smem:$0x3FAB];
	_ =	sdelay $0x3  }
0x33: {  	p0 =	seq.s32 s10, $0x1;
	s10 =	sld [smem:$0x3FAD];
	_ =	sdelay $0x3  }
0x34: {  	[smem:$0x3FAD] =	sst s10  }
0x35: {  	s10 =	sld [smem:$0x3FAC];
	_ =	sdelay $0x3  }
0x36: {  	p1 =	seq.s32 s10, $0x1;
	s10 =	sld [smem:$0x3FAD];
	_ =	sdelay $0x3  }
0x37: {  	[smem:$0x3FAD] =	sst s10  }
0x38: {  	s10 =	sld [smem:$0x3FAE]  }
0x39: {  	_ = 	snop;
	(pc) =	sbr.ind lr, $3  }
0x3a: {  	_ = 	snop  }
0x3b: {  	_ = 	snop  }
0x3c: {  	p2 =	seq.s32 s10, $0x1;
	s10 =	sld [smem:$0x3FAD]  }
0x3d: {  	_ =	shalt  }
0x3e: {  	_ =	shalt  }
0x3f: {  	_ =	shalt  }
0x40: {  	_ =	shalt  }
0x41: {  	_ =	shalt  }
0x42: {  	_ =	shalt  }
0x43: {  	_ =	shalt  }
0x44: {  	_ =	shalt  }
0x45: {  	_ =	shalt  }
0x46: {  	_ =	shalt  }
0x47: {  	_ =	shalt  }
0x48: {  	_ =	shalt  }
0x49: {  	_ =	shalt  }
0x4a: {  	_ =	shalt  }
0x4b: {  	_ =	shalt  }
0x4c: {  	_ =	shalt  }
0x4d: {  	_ =	shalt  }
0x4e: {  	_ =	shalt  }
0x4f: {  	_ =	shalt  }
0x50: {  	_ =	shalt  }
0x51: {  	_ =	shalt  }
0x52: {  	_ =	shalt  }
0x53: {  	_ =	shalt  }
0x54: {  	_ =	shalt  }
0x55: {  	_ =	shalt  }
0x56: {  	_ =	shalt  }
0x57: {  	_ =	shalt  }
0x58: {  	_ =	shalt  }
0x59: {  	_ =	shalt  }
0x5a: {  	_ =	shalt  }
0x5b: {  	_ =	shalt  }
0x5c: {  	_ =	shalt  }
0x5d: {  	_ =	shalt  }
0x5e: {  	_ =	shalt  }
0x5f: {  	_ =	shalt  }
0x60: {  	_ =	shalt  }
0x61: {  	_ =	shalt  }
0x62: {  	_ =	shalt  }
0x63: {  	_ =	shalt  }
0x64: {  	_ =	shalt  }
0x65: {  	_ =	shalt  }
0x66: {  	_ =	shalt  }
0x67: {  	_ =	shalt  }
0x68: {  	_ =	shalt  }
0x69: {  	_ =	shalt  }
0x6a: {  	_ =	shalt  }
0x6b: {  	_ =	shalt  }
0x6c: {  	_ =	shalt  }
0x6d: {  	_ =	shalt  }
0x6e: {  	_ =	shalt  }
0x6f: {  	_ =	shalt  }
0x70: {  	_ =	shalt  }
0x71: {  	_ =	shalt  }
0x72: {  	_ =	shalt  }
0x73: {  	_ =	shalt  }
0x74: {  	_ =	shalt  }
0x75: {  	_ =	shalt  }
0x76: {  	_ =	shalt  }
0x77: {  	_ =	shalt  }
0x78: {  	_ =	shalt  }
0x79: {  	_ =	shalt  }
0x7a: {  	_ =	shalt  }
0x7b: {  	_ =	shalt  }
0x7c: {  	_ =	shalt  }
0x7d: {  	_ =	shalt  }
0x7e: {  	_ =	shalt  }
0x7f: {  	_ =	shalt  }
0x80: {  	_ =	shalt  }
0x81: {  	_ =	shalt  }
0x82: {  	_ =	shalt  }
0x83: {  	_ =	shalt  }
0x84: {  	_ =	shalt  }
0x85: {  	_ =	shalt  }
0x86: {  	_ =	shalt  }
0x87: {  	_ =	shalt  }
.Lfunc_end0:
.L_simem_size_0:
called_computation.3_lowered:
.L_overlay_start_0:
0x88: {  	s2 =	sld [smem:$0x3FD9]  }
0x89: {  	s3 =	sld [smem:$0x3FFE];
	_ =	sdelay $0x1  }
0x8a: {  	s1 =	srdreg.scid  }
0x8b: {  	s0 =	sand.u32 $0x1, s1  }
0x8c: {  	s16 =	sshll.u32 s0, $0xA;
	s2 =	sadd.s32 s3, s2  }
0x8d: {  	s2 =	sadd.s32 s2, s16  }
0x8e: {  	[smem:$0x3FB9] =	sst s2  }
0x8f: {  	_ = 	snop  }
0x90: {  	(tm) =	ssettm $0x1  }
0x91: {  	s17 =	sld [smem:$0x3FFB];
	_ =	sdelay $0x3  }
0x92: {  	_ =	strace s17  }
0x93: {  	s2 =	sld [smem:$0x3FFC];
	_ =	sdelay $0x3  }
0x94: {  	_ =	strace s2  }
0x95: {  	s2 =	sld [smem:$0x3FFD];
	_ =	sdelay $0x3  }
0x96: {  	_ =	strace s2  }
0x97: {  	_ =	strace $0x8FFFFFFF  }
0x98: {  	s18 =	sld [smem:$0x3FDB];
	_ =	sdelay $0x1  }
0x99: {  	s19 =	simm.s32 $_scs_section_size  }
0x9a: {  	s4 =	simm.s32 $_size__tile_overlayer_lowered;
	s5 =	simm.s32 $_tile_overlayer_lowered  }
0x9b: {  	s22 =	simm.s32 $0x1BFF;
	s21 =	sshll.u32 s5, $0x1;
	s2 =	sadd.s32 s19, s18  }
0x9c: {  	s6 =	simm.s32 $0x0;
	s20 =	sshll.u32 s4, $0x1;
	s4 =	sadd.s32 s21, s2  }
0x9d: {  	[timem:s6], [sflag:s22] =	dma.local [hbm:s4], s20  }
0x9e: {  	_ =	swait.ge [sflag:s22], s20  }
0x9f: {  	s3 =	ssub.s32 $0x0, s20;
	[sflag:s22] =	ssyncset.done $0x0  }
0xa0: {  	[sflag:s22] =	ssyncadd.s32 s3;
	_ =	sdelay $0x1  }
0xa1: {  	s23 =	simm.s32 $0x1B8B  }
0xa2: {  	_ =	swait.ge [sflag:s23], $0x1  }
0xa3: {  	[sflag:s23] =	ssyncset.done $0x0  }
0xa4: {  	s25 =	simm.s32 $0x1B8E;
	s24 =	sld [smem:$0x3FFE];
	[sflag:s23] =	ssyncadd.s32 $0xFFFFFFFF  }
0xa5: {  	s26 =	simm.s32 $execute0_lowered;
	[smem:$0x3FD2] =	sst s25  }
0xa6: {  	s4 =	sshll.u32 s26, $0x1;
	_ =	strace $0x8000004F;
	[dreg:$0x1] =	wrdreg $0xFFFFFFFF  }
0xa7: {  	s28 =	simm.s32 $_size_execute0_lowered;
	s2 =	sadd.s32 s2, s4;
	[dreg:$0x0] =	wrdreg $0x0  }
0xa8: {  	s4 =	sshll.u32 s28, $0x1;
	[dreg:$0x2] =	wrdreg s2  }
0xa9: {  	[dreg:$0x3] =	wrdreg s4  }
0xaa: {  	[dreg:$0x4] =	wrdreg $0xC0  }
0xab: {  	_ =	task [dreg:s6], $0x5FFFF  }
0xac: {  	[dreg:$0x1] =	wrdreg $0xFFFFFFFF  }
0xad: {  	[dreg:$0x0] =	wrdreg $0x60  }
0xae: {  	[dreg:$0x2] =	wrdreg s24  }
0xaf: {  	[dreg:$0x3] =	wrdreg $0x90000  }
0xb0: {  	[dreg:$0x4] =	wrdreg $0x9  }
0xb1: {  	_ =	task.clear_ibuf [dreg:s6], $0x5FFFF;
	_ =	strace $0x9000004F  }
0xb2: {  	s29 =	simm.s32 $0x9;
	_ =	strace $0x80000051  }
0xb3: {  	_ =	swait.ge [sflag:s29], $0x1  }
0xb4: {  	[sflag:s29] =	ssyncadd.s32 $0xFFFFFFFF  }
0xb5: {  	_ =	strace $0x90000051  }
0xb6: {  	_ =	sfence  }
0xb7: {  	s30 =	sld [smem:$0x0];
	_ =	sdelay $0x2  }
0xb8: {  	s31 =	sshll.u32 s1, $0xD;
	s1 =	sshrl.u32 s1, $0x2  }
0xb9: {  	s3 =	sand.u32 $0x4000, s31;
	s1 =	sadd.s32 s1, s30  }
0xba: {  	s0 =	sor.u32 s3, s0;
	s1 =	sshll.u32 s1, $0x11  }
0xbb: {  	s0 =	sor.u32 s1, s0  }
0xbc: {  	s0 =	sadd.s32 $0x8F2B, s0  }
0xbd: {  	[sflag:s0] =	ssyncadd.remote.s32 $0x1  }
0xbe: {  	_ =	sfence.sel $0xFFFF  }
0xbf: {  	[dreg:$0x0] =	wrdreg $0xFFFFFFFF;
	(pc) =	sbr.abs _section_cstart, $3  }
0xc0: {  	[dreg:$0x1] =	wrdreg $0xFFFFFFFF  }
0xc1: {  	_ =	task.clear_ibuf [dreg:s6], $0x2FFFF;
	_ =	strace $0x9FFFFFFF  }
0xc2: {  	(tm) =	ssettm $0x7FFFFFFF  }
0xc3: {  	_ =	shalt  }
tec
execute0_lowered:
.L_overlay_start_1:
0x0: {  	(tag) =	ssettag $0x1  }
0x1: {  	s5 =	rddreg [dreg:$0x0]  }
0x2: {  	s0 =	srdreg.scid;
	s2 =	rddreg [dreg:$0x1]  }
0x3: {  	s1 =	rddreg [dreg:$0x2];
	s6 =	sand.u32 $0x1, s0  }
0x4: {  	s3 =	simm.s32 $0x0;
	s0 =	stileid.u32;
	s4 =	smul.u32 $0x28000, s6  }
0x5: {  	s14 =	simm.s32 $0x80;
	s15 =	simm.s32 $0x5000;
	s7 =	smul.u32 $0x2800, s0  }
0x6: {  	s16 =	simm.s32 $0x0;
	[smem:$0x7FF] =	sst s3;
	s28 =	smul.u32 $0x13C00, s0  }
0x7: {  	s9 =	smul.u32 $0x13C000, s6;
	_ =	strace $0x80000050;
	s6 =	ssub.s32 $0x2, s6  }
0x8: {  	s11 =	smul.u32 $0x4F000, s0;
	s31 =	sshll.u32 s0, $0x6;
	s29 =	sshrl.u32 s6, $0x1  }
0x9: {  	s4 =	sadd.s32 s7, s4;
	s10 =	sshrl.u32 s28, $0x3;
	s7 =	sadd.s32 s28, s9  }
0xa: {  	s9 =	ssub.s32 s6, s29;
	s30 =	sshrl.u32 s11, $0x2;
	s11 =	simm.s32 $0x2800  }
0xb: {  	s8 =	sshrl.u32 s4, $0x3;
	s4 =	sadd.s32 $0x34C00, s5;
	s7 =	sshrl.u32 s7, $0x3  }
0xc: {  	s10 =	sadd.s32 s10, s5;
	s13 =	sadd.s32 s30, s2;
	s9 =	smax.u32 s9, $0x1  }
0xd: {  	s8 =	sadd.s32 s8, s5;
	s12 =	sadd.s32 s7, s5;
	s7 =	sadd.s32 $0xD400, s10  }
0xe: {  	s10 =	simm.s32 $0x1;
	s13 =	sshrl.u32 s13, $0x3;
	s5 =	sadd.s32 $0x83C00, s8  }
0xf: {  	s6 =	sadd.s32 $0x3400, s8;
	s8 =	sadd.s32 $0x8DC00, s12;
	s12 =	sor.u32 $0x1C01, s31  }
.LBB2_1:
0x10: {  	[tilespmem:s3], [sflag:$0x1] =	stream.linear.gather [hbm4b:s5+s3], $0x2780, $0x38;
	[tilespmem:$0x1CC00] =	vst v63  }
0x11: {  	_ =	swait.ge [sflag:s10], $0x2780  }
0x12: {  	[sflag:s10] =	ssyncset.done $0x0  }
0x13: {  	[sflag:s10] =	ssyncadd.s32 $0xFFFFD880  }
0x14: {  	[tilespmem:s11], [sflag:$0x1] =	stream.linear.gather [hbm4b:s6+s3], $0x2780, $0x38;
	[tilespmem:$0x1CC00] =	vst v63  }
0x15: {  	_ =	swait.ge [sflag:s10], $0x2780  }
0x16: {  	[sflag:s10] =	ssyncset.done $0x0  }
0x17: {  	[sflag:s10] =	ssyncadd.s32 $0xFFFFD880  }
0x18: {  	[spmem:s13], [sflag:s12] =	dma.local [hbm:s7], $0x2780  }
0x19: {  	_ =	swait.ge [sflag:s10], $0x2780  }
0x1a: {  	[sflag:s10] =	ssyncset.done $0x0  }
0x1b: {  	[sflag:s10] =	ssyncadd.s32 $0xFFFFD880  }
0x1c: {  	s17 =	simm.s32 $0x0;
	[bflag:$0x0] =	sbarrier.arrive $0xFFFF  }
0x1d: {  	[tilespmem:s15], [sflag:$0x1] =	stream.indirect.gather [hbm4b:s4+s14], $0x80, s17, s14, $0xb8;
	[tilespmem:$0x1CC00] =	vst v63  }
0x1e: {  	_ =	swait.ge [sflag:s10], $0x4000  }
0x1f: {  	[sflag:s10] =	ssyncset.done $0x0  }
0x20: {  	s31 =	simm.s32 $0x2800;
	[sflag:s10] =	ssyncadd.s32 $0xFFFFC000  }
0x21: {  	[spmem:s2] =	stream.indirect.scatter.add.f32 [tilespmem:s15], [sflag:$0x1], $0x80, s31, s14, $0xb8;
	[tilespmem:$0x1CC00] =	vst v63  }
0x22: {  	_ =	swait.ge [sflag:s10], $0x4000  }
0x23: {  	s18 =	simm.s32 $0x400;
	s17 =	simm.s32 $0x200;
	[sflag:s10] =	ssyncset.done $0x0  }
.LBB2_2:
0x24: {  	s19 =	sshra.s32 s17, $0x2  }
0x25: {  	[sflag:s10] =	ssyncadd.s32 $0xFFFFC000;
	s17 =	smov.u32 s18;
	s20 =	sadd.s32 $0x200, s18  }
0x26: {  	[tilespmem:s15], [sflag:$0x1] =	stream.indirect.gather [hbm4b:s4+s14], $0x80, s19, s14, $0xb8;
	[tilespmem:$0x1CC00] =	vst v63  }
0x27: {  	p0 =	sne.s32 s18, $0x9C00;
	_ =	swait.ge [sflag:s10], $0x4000  }
.Ltmp0:
0x28: {  	[sflag:s10] =	ssyncset.done $0x0;
	(pc) =	sbr.rel @p0 .LBB2_2-.Ltmp0, $4  }
0x29: {  	s18 =	sadd.s32 $0x2800, s19;
	[sflag:s10] =	ssyncadd.s32 $0xFFFFC000  }
0x2a: {  	[spmem:s2] =	stream.indirect.scatter.add.f32 [tilespmem:s15], [sflag:$0x1], $0x80, s18, s14, $0xb8;
	[tilespmem:$0x1CC00] =	vst v63  }
0x2b: {  	_ =	swait.ge [sflag:s10], $0x4000  }
0x2c: {  	s18 =	smov.u32 s20;
	[sflag:s10] =	ssyncset.done $0x0  }
0x2d: {  	s17 =	sshra.s32 s17, $0x2;
	[sflag:s10] =	ssyncadd.s32 $0xFFFFC000  }
0x2e: {  	[tilespmem:s15], [sflag:$0x1] =	stream.indirect.gather [hbm4b:s4+s14], $0x80, s17, s14, $0xb8;
	[tilespmem:$0x1CC00] =	vst v63  }
0x2f: {  	_ =	swait.ge [sflag:s10], $0x4000  }
0x30: {  	[sflag:s10] =	ssyncset.done $0x0  }
0x31: {  	s17 =	sadd.s32 $0x2800, s17;
	[sflag:s10] =	ssyncadd.s32 $0xFFFFC000  }
0x32: {  	[spmem:s2] =	stream.indirect.scatter.add.f32 [tilespmem:s15], [sflag:$0x1], $0x80, s17, s14, $0xb8;
	[tilespmem:$0x1CC00] =	vst v63  }
0x33: {  	_ =	swait.ge [sflag:s10], $0x4000  }
0x34: {  	s16 =	sadd.s32 $0x1, s16;
	[sflag:s10] =	ssyncset.done $0x0  }
0x35: {  	p0 =	sne.s32 s16, s9;
	[sflag:s10] =	ssyncadd.s32 $0xFFFFC000  }
.Ltmp1:
0x36: {  	[bflag:$0x0] =	sbarrier.arrive $0xFFFF;
	(pc) =	sbr.rel @p0 .LBB2_1-.Ltmp1, $4  }
0x37: {  	[hbm:s8], [sflag:s12] =	dma.local [spmem:s13], $0x2780  }
0x38: {  	_ =	swait.ge [sflag:s10], $0x2780  }
0x39: {  	[sflag:s10] =	ssyncset.done $0x0  }
0x3a: {  	[sflag:s10] =	ssyncadd.s32 $0xFFFFD880  }
0x3b: {  	_ =	sfence.sel $0x180000  }
0x3c: {  	[bflag:$0x0] =	sbarrier.arrive $0xFFFF  }
0x3d: {  	p0 =	sne.s32 s0, $0x0;
	_ =	strace $0x90000050  }
0x3e: {  	s0 =	sadd.s32 @!p0 $0x100000, s1;
	[bflag:$0x2] =	sbarrier.arrive $0xFFFF  }
0x3f: {  	[sflag:s0] =	ssyncadd.tile.s32 @!p0 $0x1;
	_ =	shalt  }
.Lfunc_end2:
_tile_overlayer_lowered:
.L_overlay_start_2:
0x40: {  	(tag) =	ssettag $0x2  }
0x41: {  	s0 =	rddreg [dreg:$0x0];
	s2 =	stileid.u32  }
0x42: {  	s1 =	rddreg [dreg:$0x1];
	p0 =	sne.s32 s2, $0x0  }
0x43: {  	s3 =	rddreg [dreg:$0x2];
	[bflag:$0x3] =	sbarrier.arrive $0xFFFF;
	s2 =	simm.s32 @!p0 $0x1C01  }
0x44: {  	[timem:s3], [sflag:s2] =	dma.local @!p0 [hbm:s0], s1  }
0x45: {  	s0 =	simm.s32 @!p0 $0x1  }
0x46: {  	_ =	swait.ge @!p0 [sflag:s0], s1  }
0x47: {  	s1 =	ssub.s32 @!p0 $0x0, s1;
	[sflag:s0] =	ssyncset.done @!p0 $0x0  }
0x48: {  	[sflag:s0] =	ssyncadd.s32 @!p0 s1  }
0x49: {  	[bflag:$0x3] =	sbarrier.arrive $0xFFFF  }
0x4a: {  	_ =	shalt  }

// kernel: kernel.24.cloned.1.call-start
scs
__scs_entry_jumppad:
0x0: {  	(pc) =	sbr.rel $0x88, $3  }
0x1: {  	(tag) =	ssettag $0x0;
	lr =	simm.s32 $0x1  }
0x2: {  	[smem:$0x3F92] =	sst lr;
	_ =	strace $0xD0000000  }
0x3: {  	_ = 	snop  }
0x4: {  	_ = 	snop  }
0x5: {  	_ = 	snop  }
0x6: {  	_ = 	snop  }
0x7: {  	_ = 	snop  }
__scs_overlays_trampoline_lowered:
0x8: {  	[smem:$0x3FA1] =	sst s0  }
0x9: {  	[smem:$0x3FA2] =	sst s1  }
0xa: {  	[smem:$0x3FA3] =	sst s2  }
0xb: {  	[smem:$0x3FA4] =	sst s3  }
0xc: {  	[smem:$0x3FA5] =	sst s4  }
0xd: {  	[smem:$0x3FA6] =	sst s5  }
0xe: {  	[smem:$0x3FA7] =	sst s6  }
0xf: {  	[smem:$0x3FA8] =	sst s7  }
0x10: {  	[smem:$0x3FA9] =	sst s8  }
0x11: {  	[smem:$0x3FAA] =	sst s9;
	s0 =	simm.s32 @!p0 $0x0  }
0x12: {  	s1 =	sld [smem:$0x3F90];
	s0 =	simm.s32 @p0 $0x1  }
0x13: {  	[smem:$0x3FAB] =	sst s0;
	s0 =	simm.s32 @!p1 $0x0  }
0x14: {  	s2 =	sld [smem:$0x3F8F];
	s0 =	simm.s32 @p1 $0x1  }
0x15: {  	[smem:$0x3FAC] =	sst s0;
	s0 =	simm.s32 @!p2 $0x0  }
0x16: {  	s3 =	sld [smem:$0x3FDB];
	s0 =	simm.s32 @p2 $0x1  }
0x17: {  	s4 =	simm.s32 $0x1BF5;
	[smem:$0x3FAE] =	sst s0  }
0x18: {  	s0 =	sld [smem:$0x3F91];
	_ =	swait.ge [sflag:s4], $0x0  }
0x19: {  	s7 =	sld [smem:$0x3F92]  }
0x1a: {  	s8 =	sadd.s32 $0xFFFFE003, lr  }
0x1b: {  	s9 =	sadd.s32 $0xFFFFFEF7, lr;
	s5 =	simm.s32 $0xFFFFFFFF;
	p2 =	slt.u32 s8, $0xFFFFF086  }
0x1c: {  	p1 =	slt.u32 s9, $0xF7A;
	s5 =	simm.s32 @!p2 $0x0  }
0x1d: {  	s5 =	simm.s32 @p1 $0x1;
	p0 =	seq.s32 s7, s2  }
0x1e: {  	s7 =	smul.u32 @!p0 $0xF7A, s2;
	p2 =	seq.s32 @!p0 s5, $0x0  }
0x1f: {  	s9 =	smul.u32 $0xF7A, s1;
	s8 =	simm.s32 @!p0 $0x1BF5;
	p2 =	por !p2, p0  }
0x20: {  	[sflag:s8] =	ssyncset.s32 @!p0 $0xFFFFF086;
	s6 =	sadd.s32 @!p0 s3, s7;
	s7 =	simm.s32 @!p0 $0x108  }
0x21: {  	s3 =	sadd.s32 s3, s9;
	s6 =	sadd.s32 @!p0 $0x88, s6;
	s7 =	simm.s32 @p2 $0x1082  }
0x22: {  	[simem:s7], [sflag:s8] =	dma.local @!p0 [hbm:s6], $0xF7A  }
0x23: {  	s9 =	sor.u32 $0xD0000000, s2;
	s6 =	simm.s32 $0x108;
	_ =	swait.ge @!p0 [sflag:s8], $0x0  }
0x24: {  	s3 =	sadd.s32 $0x88, s3;
	s6 =	simm.s32 @!p1 $0x1082;
	[sflag:s4] =	ssyncset.s32 $0xFFFFF086  }
0x25: {  	[simem:s6], [sflag:s4] =	dma.local [hbm:s3], $0xF7A  }
0x26: {  	[smem:$0x3F92] =	sst s1;
	(tag) =	ssettag s2;
	_ =	strace s9  }
0x27: {  	s1 =	sld [smem:$0x3FA2]  }
0x28: {  	s2 =	sld [smem:$0x3FA3]  }
0x29: {  	s4 =	sld [smem:$0x3FA5]  }
0x2a: {  	p0 =	seq.s32 s5, $0x0;
	s5 =	sld [smem:$0x3FA6]  }
0x2b: {  	s6 =	sld [smem:$0x3FA7]  }
0x2c: {  	s7 =	sld [smem:$0x3FA8]  }
0x2d: {  	s3 =	simm.s32 $0x108;
	s8 =	sld [smem:$0x3FA9]  }
0x2e: {  	s3 =	simm.s32 @!p0 $0x1082;
	s9 =	sld [smem:$0x3FAA]  }
0x2f: {  	lr =	sadd.s32 s0, s3;
	s0 =	sld [smem:$0x3FA1]  }
0x30: {  	s3 =	sld [smem:$0x3FA4]  }
0x31: {  	[smem:$0x3FAD] =	sst s10  }
0x32: {  	s10 =	sld [smem:$0x3FAB];
	_ =	sdelay $0x3  }
0x33: {  	p0 =	seq.s32 s10, $0x1;
	s10 =	sld [smem:$0x3FAD];
	_ =	sdelay $0x3  }
0x34: {  	[smem:$0x3FAD] =	sst s10  }
0x35: {  	s10 =	sld [smem:$0x3FAC];
	_ =	sdelay $0x3  }
0x36: {  	p1 =	seq.s32 s10, $0x1;
	s10 =	sld [smem:$0x3FAD];
	_ =	sdelay $0x3  }
0x37: {  	[smem:$0x3FAD] =	sst s10  }
0x38: {  	s10 =	sld [smem:$0x3FAE]  }
0x39: {  	_ = 	snop;
	(pc) =	sbr.ind lr, $3  }
0x3a: {  	_ = 	snop  }
0x3b: {  	_ = 	snop  }
0x3c: {  	p2 =	seq.s32 s10, $0x1;
	s10 =	sld [smem:$0x3FAD]  }
0x3d: {  	_ =	shalt  }
0x3e: {  	_ =	shalt  }
0x3f: {  	_ =	shalt  }
0x40: {  	_ =	shalt  }
0x41: {  	_ =	shalt  }
0x42: {  	_ =	shalt  }
0x43: {  	_ =	shalt  }
0x44: {  	_ =	shalt  }
0x45: {  	_ =	shalt  }
0x46: {  	_ =	shalt  }
0x47: {  	_ =	shalt  }
0x48: {  	_ =	shalt  }
0x49: {  	_ =	shalt  }
0x4a: {  	_ =	shalt  }
0x4b: {  	_ =	shalt  }
0x4c: {  	_ =	shalt  }
0x4d: {  	_ =	shalt  }
0x4e: {  	_ =	shalt  }
0x4f: {  	_ =	shalt  }
0x50: {  	_ =	shalt  }
0x51: {  	_ =	shalt  }
0x52: {  	_ =	shalt  }
0x53: {  	_ =	shalt  }
0x54: {  	_ =	shalt  }
0x55: {  	_ =	shalt  }
0x56: {  	_ =	shalt  }
0x57: {  	_ =	shalt  }
0x58: {  	_ =	shalt  }
0x59: {  	_ =	shalt  }
0x5a: {  	_ =	shalt  }
0x5b: {  	_ =	shalt  }
0x5c: {  	_ =	shalt  }
0x5d: {  	_ =	shalt  }
0x5e: {  	_ =	shalt  }
0x5f: {  	_ =	shalt  }
0x60: {  	_ =	shalt  }
0x61: {  	_ =	shalt  }
0x62: {  	_ =	shalt  }
0x63: {  	_ =	shalt  }
0x64: {  	_ =	shalt  }
0x65: {  	_ =	shalt  }
0x66: {  	_ =	shalt  }
0x67: {  	_ =	shalt  }
0x68: {  	_ =	shalt  }
0x69: {  	_ =	shalt  }
0x6a: {  	_ =	shalt  }
0x6b: {  	_ =	shalt  }
0x6c: {  	_ =	shalt  }
0x6d: {  	_ =	shalt  }
0x6e: {  	_ =	shalt  }
0x6f: {  	_ =	shalt  }
0x70: {  	_ =	shalt  }
0x71: {  	_ =	shalt  }
0x72: {  	_ =	shalt  }
0x73: {  	_ =	shalt  }
0x74: {  	_ =	shalt  }
0x75: {  	_ =	shalt  }
0x76: {  	_ =	shalt  }
0x77: {  	_ =	shalt  }
0x78: {  	_ =	shalt  }
0x79: {  	_ =	shalt  }
0x7a: {  	_ =	shalt  }
0x7b: {  	_ =	shalt  }
0x7c: {  	_ =	shalt  }
0x7d: {  	_ =	shalt  }
0x7e: {  	_ =	shalt  }
0x7f: {  	_ =	shalt  }
0x80: {  	_ =	shalt  }
0x81: {  	_ =	shalt  }
0x82: {  	_ =	shalt  }
0x83: {  	_ =	shalt  }
0x84: {  	_ =	shalt  }
0x85: {  	_ =	shalt  }
0x86: {  	_ =	shalt  }
0x87: {  	_ =	shalt  }
.Lfunc_end0:
.L_simem_size_0:
called_computation.4_lowered:
.L_overlay_start_0:
0x88: {  	s2 =	sld [smem:$0x3FD9]  }
0x89: {  	s3 =	sld [smem:$0x3FFE];
	_ =	sdelay $0x1  }
0x8a: {  	s1 =	srdreg.scid  }
0x8b: {  	s0 =	sand.u32 $0x1, s1  }
0x8c: {  	s16 =	sshll.u32 s0, $0xA;
	s2 =	sadd.s32 s3, s2  }
0x8d: {  	s2 =	sadd.s32 s2, s16  }
0x8e: {  	[smem:$0x3FB9] =	sst s2  }
0x8f: {  	_ = 	snop  }
0x90: {  	(tm) =	ssettm $0x1  }
0x91: {  	s17 =	sld [smem:$0x3FFB];
	_ =	sdelay $0x3  }
0x92: {  	_ =	strace s17  }
0x93: {  	s2 =	sld [smem:$0x3FFC];
	_ =	sdelay $0x3  }
0x94: {  	_ =	strace s2  }
0x95: {  	s2 =	sld [smem:$0x3FFD];
	_ =	sdelay $0x3  }
0x96: {  	_ =	strace s2  }
0x97: {  	_ =	strace $0x8FFFFFFF  }
0x98: {  	s18 =	sld [smem:$0x3FDB];
	_ =	sdelay $0x1  }
0x99: {  	s19 =	simm.s32 $_scs_section_size  }
0x9a: {  	s4 =	simm.s32 $_size__tile_overlayer_lowered;
	s5 =	simm.s32 $_tile_overlayer_lowered  }
0x9b: {  	s22 =	simm.s32 $0x1BFF;
	s21 =	sshll.u32 s5, $0x1;
	s2 =	sadd.s32 s19, s18  }
0x9c: {  	s6 =	simm.s32 $0x0;
	s20 =	sshll.u32 s4, $0x1;
	s4 =	sadd.s32 s21, s2  }
0x9d: {  	[timem:s6], [sflag:s22] =	dma.local [hbm:s4], s20  }
0x9e: {  	_ =	swait.ge [sflag:s22], s20  }
0x9f: {  	s3 =	ssub.s32 $0x0, s20;
	[sflag:s22] =	ssyncset.done $0x0  }
0xa0: {  	[sflag:s22] =	ssyncadd.s32 s3;
	_ =	sdelay $0x1  }
0xa1: {  	s23 =	simm.s32 $0x1B8B  }
0xa2: {  	_ =	swait.ge [sflag:s23], $0x1  }
0xa3: {  	[sflag:s23] =	ssyncset.done $0x0  }
0xa4: {  	s25 =	simm.s32 $0x1B8E;
	s24 =	sld [smem:$0x3FFE];
	[sflag:s23] =	ssyncadd.s32 $0xFFFFFFFF  }
0xa5: {  	s26 =	simm.s32 $execute0_lowered;
	[smem:$0x3FD2] =	sst s25  }
0xa6: {  	s4 =	sshll.u32 s26, $0x1;
	_ =	strace $0x80000052;
	[dreg:$0x1] =	wrdreg $0xFFFFFFFF  }
0xa7: {  	s28 =	simm.s32 $_size_execute0_lowered;
	s2 =	sadd.s32 s2, s4;
	[dreg:$0x0] =	wrdreg $0x0  }
0xa8: {  	s4 =	sshll.u32 s28, $0x1;
	[dreg:$0x2] =	wrdreg s2  }
0xa9: {  	[dreg:$0x3] =	wrdreg s4  }
0xaa: {  	[dreg:$0x4] =	wrdreg $0xC0  }
0xab: {  	_ =	task [dreg:s6], $0x5FFFF  }
0xac: {  	[dreg:$0x1] =	wrdreg $0xFFFFFFFF  }
0xad: {  	[dreg:$0x0] =	wrdreg $0x60  }
0xae: {  	[dreg:$0x2] =	wrdreg s24  }
0xaf: {  	[dreg:$0x3] =	wrdreg $0x9  }
0xb0: {  	_ =	task.clear_ibuf [dreg:s6], $0x4FFFF;
	_ =	strace $0x90000052  }
0xb1: {  	s29 =	simm.s32 $0x9;
	_ =	strace $0x80000054  }
0xb2: {  	_ =	swait.ge [sflag:s29], $0x1  }
0xb3: {  	[sflag:s29] =	ssyncadd.s32 $0xFFFFFFFF  }
0xb4: {  	_ =	strace $0x90000054  }
0xb5: {  	_ =	sfence  }
0xb6: {  	s30 =	sld [smem:$0x0];
	_ =	sdelay $0x2  }
0xb7: {  	s31 =	sshll.u32 s1, $0xD;
	s1 =	sshrl.u32 s1, $0x2  }
0xb8: {  	s3 =	sand.u32 $0x4000, s31;
	s1 =	sadd.s32 s1, s30  }
0xb9: {  	s0 =	sor.u32 s3, s0;
	s1 =	sshll.u32 s1, $0x11  }
0xba: {  	s0 =	sor.u32 s1, s0  }
0xbb: {  	s0 =	sadd.s32 $0x8F2B, s0  }
0xbc: {  	[sflag:s0] =	ssyncadd.remote.s32 $0x1  }
0xbd: {  	_ =	sfence.sel $0xFFFF  }
0xbe: {  	[dreg:$0x0] =	wrdreg $0xFFFFFFFF;
	(pc) =	sbr.abs _section_cstart, $3  }
0xbf: {  	[dreg:$0x1] =	wrdreg $0xFFFFFFFF  }
0xc0: {  	_ =	task.clear_ibuf [dreg:s6], $0x2FFFF;
	_ =	strace $0x9FFFFFFF  }
0xc1: {  	(tm) =	ssettm $0x7FFFFFFF  }
tec
execute0_lowered:
.L_overlay_start_1:
0x0: {  	(tag) =	ssettag $0x1  }
0x1: {  	s4 =	rddreg [dreg:$0x0];
	s1 =	srdreg.scid  }
0x2: {  	s0 =	rddreg [dreg:$0x1];
	s5 =	sand.u32 $0x1, s1  }
0x3: {  	s2 =	simm.s32 $0x0;
	s1 =	stileid.u32;
	s6 =	smul.u32 $0x1C000, s5  }
0x4: {  	s9 =	simm.s32 $0x1C00;
	s10 =	simm.s32 $0x0;
	s7 =	smul.u32 $0x1C00, s1  }
0x5: {  	[smem:$0x7FF] =	sst s2;
	s3 =	sadd.s32 $0x3400, s4;
	s29 =	smul.u32 $0x190000, s5  }
0x6: {  	_ =	strace $0x80000053;
	s5 =	ssub.s32 $0x2, s5;
	s8 =	smul.u32 $0x19000, s1  }
0x7: {  	s30 =	sshrl.u32 s5, $0x1;
	s6 =	sadd.s32 s7, s6;
	s7 =	sadd.s32 s29, s4  }
0x8: {  	s5 =	ssub.s32 s5, s30;
	s6 =	sshrl.u32 s6, $0x3;
	s31 =	sadd.s32 s8, s7  }
0x9: {  	s5 =	smax.u32 s5, $0x1;
	s7 =	simm.s32 $0x1;
	s6 =	sadd.s32 s6, s4  }
0xa: {  	s8 =	simm.s32 $0x80;
	s4 =	sadd.s32 $0x5BE00, s6;
	s6 =	sadd.s32 $0x62E00, s31  }
.LBB2_1:
0xb: {  	[tilespmem:s2], [sflag:$0x1] =	stream.linear.gather [hbm4b:s4+s2], $0x1900, $0x38;
	[tilespmem:$0x5C00] =	vst v63  }
0xc: {  	_ =	swait.ge [sflag:s7], $0x1900  }
0xd: {  	[sflag:s7] =	ssyncset.done $0x0  }
0xe: {  	s11 =	simm.s32 $0x0;
	[sflag:s7] =	ssyncadd.s32 $0xFFFFE700  }
0xf: {  	[tilespmem:s9], [sflag:$0x1] =	stream.indirect.gather [hbm4b:s3+s8], $0x80, s11, s8, $0xb8;
	[tilespmem:$0x5C00] =	vst v63  }
0x10: {  	_ =	swait.ge [sflag:s7], $0x4000  }
0x11: {  	[sflag:s7] =	ssyncset.done $0x0  }
0x12: {  	[sflag:s7] =	ssyncadd.s32 $0xFFFFC000  }
0x13: {  	[hbm4b:s6+s2] =	stream.linear.scatter [tilespmem:s9], [sflag:$0x1], $0x4000, $0x38;
	[tilespmem:$0x5C00] =	vst v63  }
0x14: {  	s12 =	simm.s32 $0x200;
	_ =	swait.ge [sflag:s7], $0x4000  }
0x15: {  	s13 =	simm.s32 $0x400;
	s11 =	sadd.s32 $0x800, s6;
	[sflag:s7] =	ssyncset.done $0x0  }
.LBB2_2:
0x16: {  	s14 =	sshra.s32 s12, $0x2  }
0x17: {  	[sflag:s7] =	ssyncadd.s32 $0xFFFFC000;
	s12 =	smov.u32 s13;
	s15 =	sadd.s32 $0x200, s13  }
0x18: {  	[tilespmem:s9], [sflag:$0x1] =	stream.indirect.gather [hbm4b:s3+s8], $0x80, s14, s8, $0xb8;
	[tilespmem:$0x5C00] =	vst v63  }
0x19: {  	p0 =	sne.s32 s13, $0x6200;
	_ =	swait.ge [sflag:s7], $0x4000  }
.Ltmp0:
0x1a: {  	[sflag:s7] =	ssyncset.done $0x0;
	(pc) =	sbr.rel @p0 .LBB2_2-.Ltmp0, $4  }
0x1b: {  	[sflag:s7] =	ssyncadd.s32 $0xFFFFC000  }
0x1c: {  	[hbm4b:s11+s2] =	stream.linear.scatter [tilespmem:s9], [sflag:$0x1], $0x4000, $0x38;
	[tilespmem:$0x5C00] =	vst v63  }
0x1d: {  	_ =	swait.ge [sflag:s7], $0x4000  }
0x1e: {  	s13 =	smov.u32 s15;
	s11 =	sadd.s32 $0x800, s11;
	[sflag:s7] =	ssyncset.done $0x0  }
0x1f: {  	s12 =	sshra.s32 s12, $0x2;
	[sflag:s7] =	ssyncadd.s32 $0xFFFFC000  }
0x20: {  	[tilespmem:s9], [sflag:$0x1] =	stream.indirect.gather [hbm4b:s3+s8], $0x80, s12, s8, $0xb8;
	[tilespmem:$0x5C00] =	vst v63  }
0x21: {  	s10 =	sadd.s32 $0x1, s10;
	_ =	swait.ge [sflag:s7], $0x4000  }
0x22: {  	p0 =	sne.s32 s10, s5;
	[sflag:s7] =	ssyncset.done $0x0  }
.Ltmp1:
0x23: {  	[sflag:s7] =	ssyncadd.s32 $0xFFFFC000;
	(pc) =	sbr.rel @p0 .LBB2_1-.Ltmp1, $4  }
0x24: {  	[hbm4b:s11+s2] =	stream.linear.scatter [tilespmem:s9], [sflag:$0x1], $0x4000, $0x38;
	[tilespmem:$0x5C00] =	vst v63  }
0x25: {  	_ =	swait.ge [sflag:s7], $0x4000  }
0x26: {  	[sflag:s7] =	ssyncset.done $0x0  }
0x27: {  	[sflag:s7] =	ssyncadd.s32 $0xFFFFC000  }
0x28: {  	_ =	sfence.sel $0x180000  }
0x29: {  	[bflag:$0x0] =	sbarrier.arrive $0xFFFF  }
0x2a: {  	p0 =	sne.s32 s1, $0x0;
	_ =	strace $0x90000053  }
0x2b: {  	s0 =	sadd.s32 @!p0 $0x100000, s0;
	[bflag:$0x2] =	sbarrier.arrive $0xFFFF  }
0x2c: {  	[sflag:s0] =	ssyncadd.tile.s32 @!p0 $0x1;
	_ =	shalt  }
.Lfunc_end2:
_tile_overlayer_lowered:
.L_overlay_start_2:
0x2d: {  	(tag) =	ssettag $0x2  }
0x2e: {  	s0 =	rddreg [dreg:$0x0];
	s2 =	stileid.u32  }
0x2f: {  	s1 =	rddreg [dreg:$0x1];
	p0 =	sne.s32 s2, $0x0  }
0x30: {  	s3 =	rddreg [dreg:$0x2];
	[bflag:$0x3] =	sbarrier.arrive $0xFFFF;
	s2 =	simm.s32 @!p0 $0x1C01  }
0x31: {  	[timem:s3], [sflag:s2] =	dma.local @!p0 [hbm:s0], s1  }
0x32: {  	s0 =	simm.s32 @!p0 $0x1  }
0x33: {  	_ =	swait.ge @!p0 [sflag:s0], s1  }
0x34: {  	s1 =	ssub.s32 @!p0 $0x0, s1;
	[sflag:s0] =	ssyncset.done @!p0 $0x0  }
0x35: {  	[sflag:s0] =	ssyncadd.s32 @!p0 s1  }
0x36: {  	[bflag:$0x3] =	sbarrier.arrive $0xFFFF  }
0x37: {  	_ =	shalt  }

</sc_bundles>
